<compile_context>
chip_gen: v7x
topology: tpu7x:2x2x1
jax: 0.10.2.dev20260603
libtpu: 0.0.44.dev20260713+nightly
codegen_flags: <defaults>
</compile_context>

<pallas_src>
import functools

import jax
import jax.numpy as jnp
from jax import lax
from jax.experimental import pallas as pl
from jax.experimental.pallas import tpu as pltpu
from jax.experimental.pallas import tpu_sc as plsc

VOCAB = 100000
D_MODEL = 128
BATCH = 4096
HIST = 200
TOTAL = BATCH * HIST

_INFO = plsc.get_sparse_core_info()
NC = _INFO.num_cores
NS = _INFO.num_subcores
NW = NC * NS
B_PER_W = TOTAL // NW
CHUNK = 128
NCHUNK = B_PER_W // CHUNK
NBUF = 5
NGRP = NCHUNK // NBUF

_mesh = plsc.VectorSubcoreMesh(core_axis_name="c", subcore_axis_name="s")


@functools.partial(
    pl.kernel,
    mesh=_mesh,
    out_type=jax.ShapeDtypeStruct((TOTAL, D_MODEL), jnp.float32),
    scratch_types=(
        [pltpu.VMEM((CHUNK,), jnp.int32) for _ in range(NBUF)]
        + [pltpu.VMEM((CHUNK, D_MODEL), jnp.float32) for _ in range(NBUF)]
        + [pltpu.SemaphoreType.DMA for _ in range(3 * NBUF)]
    ),
)
def _emb_lookup(ids_hbm, tab_hbm, out_hbm, *scratch):
    idx = scratch[:NBUF]
    rows = scratch[NBUF:2 * NBUF]
    isem = scratch[2 * NBUF:3 * NBUF]
    gsem = scratch[3 * NBUF:4 * NBUF]
    wsem = scratch[4 * NBUF:]
    wid = lax.axis_index("s") * NC + lax.axis_index("c")
    base = wid * B_PER_W

    def idx_start(chunk, b):
        pltpu.make_async_copy(
            ids_hbm.at[pl.ds(base + chunk * CHUNK, CHUNK)], idx[b],
            isem[b]).start()

    def idx_wait(b):
        pltpu.make_async_copy(
            ids_hbm.at[pl.ds(base, CHUNK)], idx[b], isem[b]).wait()

    def gather_start(b):
        pltpu.make_async_copy(tab_hbm.at[idx[b]], rows[b], gsem[b]).start()

    def gather_wait(b):
        pltpu.make_async_copy(tab_hbm.at[idx[b]], rows[b], gsem[b]).wait()

    def write_start(chunk, b):
        pltpu.make_async_copy(
            rows[b], out_hbm.at[pl.ds(base + chunk * CHUNK, CHUNK)],
            wsem[b]).start()

    def write_wait(b):
        pltpu.make_async_copy(
            rows[b], out_hbm.at[pl.ds(base, CHUNK)], wsem[b]).wait()

    for b in range(NBUF):
        idx_start(b, b)
    for b in range(NBUF):
        idx_wait(b)
        gather_start(b)

    def group(g, carry):
        for b in range(NBUF):
            gather_wait(b)
            write_start(g * NBUF + b, b)
            idx_start((g + 1) * NBUF + b, b)

        for b in range(NBUF):
            write_wait(b)
            idx_wait(b)
            gather_start(b)

        return carry

    lax.fori_loop(0, NGRP - 1, group, 0)
    g_last = NGRP - 1
    for b in range(NBUF):
        gather_wait(b)
        write_start(g_last * NBUF + b, b)
    for b in range(NBUF):
        write_wait(b)


def kernel(ids, emb_weight):
    flat = ids.reshape(TOTAL).astype(jnp.int32)
    out = _emb_lookup(flat, emb_weight)
    return out.reshape(BATCH, HIST, D_MODEL)

# --- scband reference (transcript-rebuilt; emitter-appended) ---
"""Pipeline reference for scband-embedding-14465449853306 (READ-ONLY COPY).

The authoritative reference and input builder live on the scoring server;
editing this copy changes nothing except your own understanding.
"""

import jax, jax.numpy as jnp
import numpy as np

VOCAB = 100000
D_MODEL = 128
BATCH = 4096
HIST = 200

def setup_inputs(seed: int = 0) -> dict:
    key = jax.random.key(seed)
    k_ids, k_emb = jax.random.split(key)
    ids = jax.random.randint(k_ids, (BATCH, HIST), 0, VOCAB, dtype=jnp.int64 if jax.config.jax_enable_x64 else jnp.int32)
    # Embedding table initialized like nn.Embedding (N(0,1))
    emb_weight = jax.random.normal(k_emb, (VOCAB, D_MODEL), dtype=jnp.float32)
    return {"ids": ids, "emb_weight": emb_weight}

def reference(ids, emb_weight):
    # Faithful to nn.Embedding: gather rows of the table by ids
    return jnp.take(emb_weight, ids, axis=0)

if __name__ == "__main__":
    import jax
    _d = setup_inputs()
    print(jax.jit(kernel)(*tuple(_d.values())))

</pallas_src>

<mosaic_0001>
#map = affine_map<(d0, d1) -> (0)>
#map1 = affine_map<(d0, d1) -> (0, 0)>
module attributes {stable_mosaic.version = 14 : i64} {
  func.func @_emb_lookup(%arg0: i32, %arg1: i32, %arg2: memref<819200xi32, #tpu.memory_space<hbm>>, %arg3: memref<100000x128xf32, #tpu.memory_space<hbm>>, %arg4: memref<819200x128xf32, #tpu.memory_space<hbm>>, %arg5: memref<128xi32, #tpu.memory_space<vmem>>, %arg6: memref<128xi32, #tpu.memory_space<vmem>>, %arg7: memref<128xi32, #tpu.memory_space<vmem>>, %arg8: memref<128xi32, #tpu.memory_space<vmem>>, %arg9: memref<128xi32, #tpu.memory_space<vmem>>, %arg10: memref<128x128xf32, #tpu.memory_space<vmem>>, %arg11: memref<128x128xf32, #tpu.memory_space<vmem>>, %arg12: memref<128x128xf32, #tpu.memory_space<vmem>>, %arg13: memref<128x128xf32, #tpu.memory_space<vmem>>, %arg14: memref<128x128xf32, #tpu.memory_space<vmem>>, %arg15: memref<!tpu.dma_semaphore, #tpu.memory_space<semaphore_mem>>, %arg16: memref<!tpu.dma_semaphore, #tpu.memory_space<semaphore_mem>>, %arg17: memref<!tpu.dma_semaphore, #tpu.memory_space<semaphore_mem>>, %arg18: memref<!tpu.dma_semaphore, #tpu.memory_space<semaphore_mem>>, %arg19: memref<!tpu.dma_semaphore, #tpu.memory_space<semaphore_mem>>, %arg20: memref<!tpu.dma_semaphore, #tpu.memory_space<semaphore_mem>>, %arg21: memref<!tpu.dma_semaphore, #tpu.memory_space<semaphore_mem>>, %arg22: memref<!tpu.dma_semaphore, #tpu.memory_space<semaphore_mem>>, %arg23: memref<!tpu.dma_semaphore, #tpu.memory_space<semaphore_mem>>, %arg24: memref<!tpu.dma_semaphore, #tpu.memory_space<semaphore_mem>>, %arg25: memref<!tpu.dma_semaphore, #tpu.memory_space<semaphore_mem>>, %arg26: memref<!tpu.dma_semaphore, #tpu.memory_space<semaphore_mem>>, %arg27: memref<!tpu.dma_semaphore, #tpu.memory_space<semaphore_mem>>, %arg28: memref<!tpu.dma_semaphore, #tpu.memory_space<semaphore_mem>>, %arg29: memref<!tpu.dma_semaphore, #tpu.memory_space<semaphore_mem>>) attributes {dimension_semantics = [#tpu.dimension_semantics<core_parallel>, #tpu.dimension_semantics<subcore_parallel>], iteration_bounds = array<i64: 2, 16>, scalar_prefetch = 0 : i64, scratch_operands = 25 : i64, tpu.core_type = #tpu.core_type<sc_vector_subcore>, window_params = [{transform_indices = #map}, {transform_indices = #map1}, {transform_indices = #map1}]} {
    %mul3A = arith.constant 2 : i32
    %mul3A_0 = arith.muli %arg1, %mul3A : i32
    %add3A = arith.addi %mul3A_0, %arg0 : i32
    %mul3A_1 = arith.constant 25600 : i32
    %mul3A_2 = arith.muli %add3A, %mul3A_1 : i32
    %add3A_3 = arith.constant 0 : i32
    %add3A_4 = arith.addi %mul3A_2, %add3A_3 : i32
    %dma_start3A = tpu.memref_slice %arg2[%add3A_4] : memref<819200xi32, #tpu.memory_space<hbm>> -> memref<128xi32, #tpu.memory_space<hbm>>
    %dma_start3A_5 = tpu.memref_slice %arg2[%add3A_4] : memref<819200xi32, #tpu.memory_space<hbm>> -> memref<128xi32, #tpu.memory_space<hbm>>
    tpu.enqueue_dma source(%dma_start3A_5 : memref<128xi32, #tpu.memory_space<hbm>>) target(%arg5 : memref<128xi32, #tpu.memory_space<vmem>>) target_semaphore(%arg15 : memref<!tpu.dma_semaphore, #tpu.memory_space<semaphore_mem>>)
    %add3A_6 = arith.constant 128 : i32
    %add3A_7 = arith.addi %mul3A_2, %add3A_6 : i32
    %dma_start3A_8 = tpu.memref_slice %arg2[%add3A_7] : memref<819200xi32, #tpu.memory_space<hbm>> -> memref<128xi32, #tpu.memory_space<hbm>>
    %dma_start3A_9 = tpu.memref_slice %arg2[%add3A_7] : memref<819200xi32, #tpu.memory_space<hbm>> -> memref<128xi32, #tpu.memory_space<hbm>>
    tpu.enqueue_dma source(%dma_start3A_9 : memref<128xi32, #tpu.memory_space<hbm>>) target(%arg6 : memref<128xi32, #tpu.memory_space<vmem>>) target_semaphore(%arg16 : memref<!tpu.dma_semaphore, #tpu.memory_space<semaphore_mem>>)
    %add3A_10 = arith.constant 256 : i32
    %add3A_11 = arith.addi %mul3A_2, %add3A_10 : i32
    %dma_start3A_12 = tpu.memref_slice %arg2[%add3A_11] : memref<819200xi32, #tpu.memory_space<hbm>> -> memref<128xi32, #tpu.memory_space<hbm>>
    %dma_start3A_13 = tpu.memref_slice %arg2[%add3A_11] : memref<819200xi32, #tpu.memory_space<hbm>> -> memref<128xi32, #tpu.memory_space<hbm>>
    tpu.enqueue_dma source(%dma_start3A_13 : memref<128xi32, #tpu.memory_space<hbm>>) target(%arg7 : memref<128xi32, #tpu.memory_space<vmem>>) target_semaphore(%arg17 : memref<!tpu.dma_semaphore, #tpu.memory_space<semaphore_mem>>)
    %add3A_14 = arith.constant 384 : i32
    %add3A_15 = arith.addi %mul3A_2, %add3A_14 : i32
    %dma_start3A_16 = tpu.memref_slice %arg2[%add3A_15] : memref<819200xi32, #tpu.memory_space<hbm>> -> memref<128xi32, #tpu.memory_space<hbm>>
    %dma_start3A_17 = tpu.memref_slice %arg2[%add3A_15] : memref<819200xi32, #tpu.memory_space<hbm>> -> memref<128xi32, #tpu.memory_space<hbm>>
    tpu.enqueue_dma source(%dma_start3A_17 : memref<128xi32, #tpu.memory_space<hbm>>) target(%arg8 : memref<128xi32, #tpu.memory_space<vmem>>) target_semaphore(%arg18 : memref<!tpu.dma_semaphore, #tpu.memory_space<semaphore_mem>>)
    %add3A_18 = arith.constant 512 : i32
    %add3A_19 = arith.addi %mul3A_2, %add3A_18 : i32
    %dma_start3A_20 = tpu.memref_slice %arg2[%add3A_19] : memref<819200xi32, #tpu.memory_space<hbm>> -> memref<128xi32, #tpu.memory_space<hbm>>
    %dma_start3A_21 = tpu.memref_slice %arg2[%add3A_19] : memref<819200xi32, #tpu.memory_space<hbm>> -> memref<128xi32, #tpu.memory_space<hbm>>
    tpu.enqueue_dma source(%dma_start3A_21 : memref<128xi32, #tpu.memory_space<hbm>>) target(%arg9 : memref<128xi32, #tpu.memory_space<vmem>>) target_semaphore(%arg19 : memref<!tpu.dma_semaphore, #tpu.memory_space<semaphore_mem>>)
    %dma_wait3A = tpu.memref_slice %arg2[%mul3A_2] : memref<819200xi32, #tpu.memory_space<hbm>> -> memref<128xi32, #tpu.memory_space<hbm>>
    %dma_wait3A_22 = tpu.memref_slice %arg2[%mul3A_2] : memref<819200xi32, #tpu.memory_space<hbm>> -> memref<128xi32, #tpu.memory_space<hbm>>
    tpu.wait_dma2 semaphore(%arg15 : memref<!tpu.dma_semaphore, #tpu.memory_space<semaphore_mem>>) src(%dma_wait3A_22 : memref<128xi32, #tpu.memory_space<hbm>>) dst(%arg5 : memref<128xi32, #tpu.memory_space<vmem>>)
    %dma_start3A_23 = arith.constant 0 : i32
    %dma_start3A_24 = arith.constant 0 : i32
    %dma_start3A_25 = tpu.memref_slice %arg3[%dma_start3A_23, %dma_start3A_24] : memref<100000x128xf32, #tpu.memory_space<hbm>> -> memref<100000x128xf32, #tpu.memory_space<hbm>>
    tpu.enqueue_indirect_dma source(%dma_start3A_25 : memref<100000x128xf32, #tpu.memory_space<hbm>>) target(%arg10 : memref<128x128xf32, #tpu.memory_space<vmem>>) offsets(%arg5 : memref<128xi32, #tpu.memory_space<vmem>>) semaphore(%arg20 : memref<!tpu.dma_semaphore, #tpu.memory_space<semaphore_mem>>)
    %dma_wait3A_26 = tpu.memref_slice %arg2[%mul3A_2] : memref<819200xi32, #tpu.memory_space<hbm>> -> memref<128xi32, #tpu.memory_space<hbm>>
    %dma_wait3A_27 = tpu.memref_slice %arg2[%mul3A_2] : memref<819200xi32, #tpu.memory_space<hbm>> -> memref<128xi32, #tpu.memory_space<hbm>>
    tpu.wait_dma2 semaphore(%arg16 : memref<!tpu.dma_semaphore, #tpu.memory_space<semaphore_mem>>) src(%dma_wait3A_27 : memref<128xi32, #tpu.memory_space<hbm>>) dst(%arg6 : memref<128xi32, #tpu.memory_space<vmem>>)
    %dma_start3A_28 = arith.constant 0 : i32
    %dma_start3A_29 = arith.constant 0 : i32
    %dma_start3A_30 = tpu.memref_slice %arg3[%dma_start3A_28, %dma_start3A_29] : memref<100000x128xf32, #tpu.memory_space<hbm>> -> memref<100000x128xf32, #tpu.memory_space<hbm>>
    tpu.enqueue_indirect_dma source(%dma_start3A_30 : memref<100000x128xf32, #tpu.memory_space<hbm>>) target(%arg11 : memref<128x128xf32, #tpu.memory_space<vmem>>) offsets(%arg6 : memref<128xi32, #tpu.memory_space<vmem>>) semaphore(%arg21 : memref<!tpu.dma_semaphore, #tpu.memory_space<semaphore_mem>>)
    %dma_wait3A_31 = tpu.memref_slice %arg2[%mul3A_2] : memref<819200xi32, #tpu.memory_space<hbm>> -> memref<128xi32, #tpu.memory_space<hbm>>
    %dma_wait3A_32 = tpu.memref_slice %arg2[%mul3A_2] : memref<819200xi32, #tpu.memory_space<hbm>> -> memref<128xi32, #tpu.memory_space<hbm>>
    tpu.wait_dma2 semaphore(%arg17 : memref<!tpu.dma_semaphore, #tpu.memory_space<semaphore_mem>>) src(%dma_wait3A_32 : memref<128xi32, #tpu.memory_space<hbm>>) dst(%arg7 : memref<128xi32, #tpu.memory_space<vmem>>)
    %dma_start3A_33 = arith.constant 0 : i32
    %dma_start3A_34 = arith.constant 0 : i32
    %dma_start3A_35 = tpu.memref_slice %arg3[%dma_start3A_33, %dma_start3A_34] : memref<100000x128xf32, #tpu.memory_space<hbm>> -> memref<100000x128xf32, #tpu.memory_space<hbm>>
    tpu.enqueue_indirect_dma source(%dma_start3A_35 : memref<100000x128xf32, #tpu.memory_space<hbm>>) target(%arg12 : memref<128x128xf32, #tpu.memory_space<vmem>>) offsets(%arg7 : memref<128xi32, #tpu.memory_space<vmem>>) semaphore(%arg22 : memref<!tpu.dma_semaphore, #tpu.memory_space<semaphore_mem>>)
    %dma_wait3A_36 = tpu.memref_slice %arg2[%mul3A_2] : memref<819200xi32, #tpu.memory_space<hbm>> -> memref<128xi32, #tpu.memory_space<hbm>>
    %dma_wait3A_37 = tpu.memref_slice %arg2[%mul3A_2] : memref<819200xi32, #tpu.memory_space<hbm>> -> memref<128xi32, #tpu.memory_space<hbm>>
    tpu.wait_dma2 semaphore(%arg18 : memref<!tpu.dma_semaphore, #tpu.memory_space<semaphore_mem>>) src(%dma_wait3A_37 : memref<128xi32, #tpu.memory_space<hbm>>) dst(%arg8 : memref<128xi32, #tpu.memory_space<vmem>>)
    %dma_start3A_38 = arith.constant 0 : i32
    %dma_start3A_39 = arith.constant 0 : i32
    %dma_start3A_40 = tpu.memref_slice %arg3[%dma_start3A_38, %dma_start3A_39] : memref<100000x128xf32, #tpu.memory_space<hbm>> -> memref<100000x128xf32, #tpu.memory_space<hbm>>
    tpu.enqueue_indirect_dma source(%dma_start3A_40 : memref<100000x128xf32, #tpu.memory_space<hbm>>) target(%arg13 : memref<128x128xf32, #tpu.memory_space<vmem>>) offsets(%arg8 : memref<128xi32, #tpu.memory_space<vmem>>) semaphore(%arg23 : memref<!tpu.dma_semaphore, #tpu.memory_space<semaphore_mem>>)
    %dma_wait3A_41 = tpu.memref_slice %arg2[%mul3A_2] : memref<819200xi32, #tpu.memory_space<hbm>> -> memref<128xi32, #tpu.memory_space<hbm>>
    %dma_wait3A_42 = tpu.memref_slice %arg2[%mul3A_2] : memref<819200xi32, #tpu.memory_space<hbm>> -> memref<128xi32, #tpu.memory_space<hbm>>
    tpu.wait_dma2 semaphore(%arg19 : memref<!tpu.dma_semaphore, #tpu.memory_space<semaphore_mem>>) src(%dma_wait3A_42 : memref<128xi32, #tpu.memory_space<hbm>>) dst(%arg9 : memref<128xi32, #tpu.memory_space<vmem>>)
    %dma_start3A_43 = arith.constant 0 : i32
    %dma_start3A_44 = arith.constant 0 : i32
    %dma_start3A_45 = tpu.memref_slice %arg3[%dma_start3A_43, %dma_start3A_44] : memref<100000x128xf32, #tpu.memory_space<hbm>> -> memref<100000x128xf32, #tpu.memory_space<hbm>>
    tpu.enqueue_indirect_dma source(%dma_start3A_45 : memref<100000x128xf32, #tpu.memory_space<hbm>>) target(%arg14 : memref<128x128xf32, #tpu.memory_space<vmem>>) offsets(%arg9 : memref<128xi32, #tpu.memory_space<vmem>>) semaphore(%arg24 : memref<!tpu.dma_semaphore, #tpu.memory_space<semaphore_mem>>)
    %scan3A = arith.constant 0 : i32
    %scan3A_46 = arith.constant 0 : i32
    %scan3A_47 = arith.constant 39 : i32
    %scan3A_48 = arith.addi %scan3A_46, %scan3A_47 : i32
    %scan3A_49 = arith.constant 1 : i32
    scf.for %scan3A_116 = %scan3A_46 to %scan3A_48 step %scan3A_49  : i32 {
      %dma_wait3A_117 = arith.constant 0 : i32
      %dma_wait3A_118 = arith.constant 0 : i32
      %dma_wait3A_119 = tpu.memref_slice %arg3[%dma_wait3A_117, %dma_wait3A_118] : memref<100000x128xf32, #tpu.memory_space<hbm>> -> memref<100000x128xf32, #tpu.memory_space<hbm>>
      tpu.wait_indirect_dma semaphore(%arg20 : memref<!tpu.dma_semaphore, #tpu.memory_space<semaphore_mem>>) src(%dma_wait3A_119 : memref<100000x128xf32, #tpu.memory_space<hbm>>) dst(%arg10 : memref<128x128xf32, #tpu.memory_space<vmem>>)
      %mul3A_120 = arith.constant 5 : i32
      %mul3A_121 = arith.muli %scan3A_116, %mul3A_120 : i32
      %add3A_122 = arith.constant 0 : i32
      %add3A_123 = arith.addi %mul3A_121, %add3A_122 : i32
      %mul3A_124 = arith.constant 128 : i32
      %mul3A_125 = arith.muli %add3A_123, %mul3A_124 : i32
      %add3A_126 = arith.addi %mul3A_2, %mul3A_125 : i32
      %dma_start3A_127 = arith.constant 0 : i32
      %dma_start3A_128 = tpu.memref_slice %arg4[%add3A_126, %dma_start3A_127] : memref<819200x128xf32, #tpu.memory_space<hbm>> -> memref<128x128xf32, #tpu.memory_space<hbm>>
      %dma_start3A_129 = arith.constant 0 : i32
      %dma_start3A_130 = tpu.memref_slice %arg4[%add3A_126, %dma_start3A_129] : memref<819200x128xf32, #tpu.memory_space<hbm>> -> memref<128x128xf32, #tpu.memory_space<hbm>>
      tpu.enqueue_dma source(%arg10 : memref<128x128xf32, #tpu.memory_space<vmem>>) target(%dma_start3A_130 : memref<128x128xf32, #tpu.memory_space<hbm>>) target_semaphore(%arg25 : memref<!tpu.dma_semaphore, #tpu.memory_space<semaphore_mem>>)
      %add3A_131 = arith.constant 1 : i32
      %add3A_132 = arith.addi %scan3A_116, %add3A_131 : i32
      %mul3A_133 = arith.constant 5 : i32
      %mul3A_134 = arith.muli %add3A_132, %mul3A_133 : i32
      %add3A_135 = arith.constant 0 : i32
      %add3A_136 = arith.addi %mul3A_134, %add3A_135 : i32
      %mul3A_137 = arith.constant 128 : i32
      %mul3A_138 = arith.muli %add3A_136, %mul3A_137 : i32
      %add3A_139 = arith.addi %mul3A_2, %mul3A_138 : i32
      %dma_start3A_140 = tpu.memref_slice %arg2[%add3A_139] : memref<819200xi32, #tpu.memory_space<hbm>> -> memref<128xi32, #tpu.memory_space<hbm>>
      %dma_start3A_141 = tpu.memref_slice %arg2[%add3A_139] : memref<819200xi32, #tpu.memory_space<hbm>> -> memref<128xi32, #tpu.memory_space<hbm>>
      tpu.enqueue_dma source(%dma_start3A_141 : memref<128xi32, #tpu.memory_space<hbm>>) target(%arg5 : memref<128xi32, #tpu.memory_space<vmem>>) target_semaphore(%arg15 : memref<!tpu.dma_semaphore, #tpu.memory_space<semaphore_mem>>)
      %dma_wait3A_142 = arith.constant 0 : i32
      %dma_wait3A_143 = arith.constant 0 : i32
      %dma_wait3A_144 = tpu.memref_slice %arg3[%dma_wait3A_142, %dma_wait3A_143] : memref<100000x128xf32, #tpu.memory_space<hbm>> -> memref<100000x128xf32, #tpu.memory_space<hbm>>
      tpu.wait_indirect_dma semaphore(%arg21 : memref<!tpu.dma_semaphore, #tpu.memory_space<semaphore_mem>>) src(%dma_wait3A_144 : memref<100000x128xf32, #tpu.memory_space<hbm>>) dst(%arg11 : memref<128x128xf32, #tpu.memory_space<vmem>>)
      %mul3A_145 = arith.constant 5 : i32
      %mul3A_146 = arith.muli %scan3A_116, %mul3A_145 : i32
      %add3A_147 = arith.constant 1 : i32
      %add3A_148 = arith.addi %mul3A_146, %add3A_147 : i32
      %mul3A_149 = arith.constant 128 : i32
      %mul3A_150 = arith.muli %add3A_148, %mul3A_149 : i32
      %add3A_151 = arith.addi %mul3A_2, %mul3A_150 : i32
      %dma_start3A_152 = arith.constant 0 : i32
      %dma_start3A_153 = tpu.memref_slice %arg4[%add3A_151, %dma_start3A_152] : memref<819200x128xf32, #tpu.memory_space<hbm>> -> memref<128x128xf32, #tpu.memory_space<hbm>>
      %dma_start3A_154 = arith.constant 0 : i32
      %dma_start3A_155 = tpu.memref_slice %arg4[%add3A_151, %dma_start3A_154] : memref<819200x128xf32, #tpu.memory_space<hbm>> -> memref<128x128xf32, #tpu.memory_space<hbm>>
      tpu.enqueue_dma source(%arg11 : memref<128x128xf32, #tpu.memory_space<vmem>>) target(%dma_start3A_155 : memref<128x128xf32, #tpu.memory_space<hbm>>) target_semaphore(%arg26 : memref<!tpu.dma_semaphore, #tpu.memory_space<semaphore_mem>>)
      %add3A_156 = arith.constant 1 : i32
      %add3A_157 = arith.addi %scan3A_116, %add3A_156 : i32
      %mul3A_158 = arith.constant 5 : i32
      %mul3A_159 = arith.muli %add3A_157, %mul3A_158 : i32
      %add3A_160 = arith.constant 1 : i32
      %add3A_161 = arith.addi %mul3A_159, %add3A_160 : i32
      %mul3A_162 = arith.constant 128 : i32
      %mul3A_163 = arith.muli %add3A_161, %mul3A_162 : i32
      %add3A_164 = arith.addi %mul3A_2, %mul3A_163 : i32
      %dma_start3A_165 = tpu.memref_slice %arg2[%add3A_164] : memref<819200xi32, #tpu.memory_space<hbm>> -> memref<128xi32, #tpu.memory_space<hbm>>
      %dma_start3A_166 = tpu.memref_slice %arg2[%add3A_164] : memref<819200xi32, #tpu.memory_space<hbm>> -> memref<128xi32, #tpu.memory_space<hbm>>
      tpu.enqueue_dma source(%dma_start3A_166 : memref<128xi32, #tpu.memory_space<hbm>>) target(%arg6 : memref<128xi32, #tpu.memory_space<vmem>>) target_semaphore(%arg16 : memref<!tpu.dma_semaphore, #tpu.memory_space<semaphore_mem>>)
      %dma_wait3A_167 = arith.constant 0 : i32
      %dma_wait3A_168 = arith.constant 0 : i32
      %dma_wait3A_169 = tpu.memref_slice %arg3[%dma_wait3A_167, %dma_wait3A_168] : memref<100000x128xf32, #tpu.memory_space<hbm>> -> memref<100000x128xf32, #tpu.memory_space<hbm>>
      tpu.wait_indirect_dma semaphore(%arg22 : memref<!tpu.dma_semaphore, #tpu.memory_space<semaphore_mem>>) src(%dma_wait3A_169 : memref<100000x128xf32, #tpu.memory_space<hbm>>) dst(%arg12 : memref<128x128xf32, #tpu.memory_space<vmem>>)
      %mul3A_170 = arith.constant 5 : i32
      %mul3A_171 = arith.muli %scan3A_116, %mul3A_170 : i32
      %add3A_172 = arith.constant 2 : i32
      %add3A_173 = arith.addi %mul3A_171, %add3A_172 : i32
      %mul3A_174 = arith.constant 128 : i32
      %mul3A_175 = arith.muli %add3A_173, %mul3A_174 : i32
      %add3A_176 = arith.addi %mul3A_2, %mul3A_175 : i32
      %dma_start3A_177 = arith.constant 0 : i32
      %dma_start3A_178 = tpu.memref_slice %arg4[%add3A_176, %dma_start3A_177] : memref<819200x128xf32, #tpu.memory_space<hbm>> -> memref<128x128xf32, #tpu.memory_space<hbm>>
      %dma_start3A_179 = arith.constant 0 : i32
      %dma_start3A_180 = tpu.memref_slice %arg4[%add3A_176, %dma_start3A_179] : memref<819200x128xf32, #tpu.memory_space<hbm>> -> memref<128x128xf32, #tpu.memory_space<hbm>>
      tpu.enqueue_dma source(%arg12 : memref<128x128xf32, #tpu.memory_space<vmem>>) target(%dma_start3A_180 : memref<128x128xf32, #tpu.memory_space<hbm>>) target_semaphore(%arg27 : memref<!tpu.dma_semaphore, #tpu.memory_space<semaphore_mem>>)
      %add3A_181 = arith.constant 1 : i32
      %add3A_182 = arith.addi %scan3A_116, %add3A_181 : i32
      %mul3A_183 = arith.constant 5 : i32
      %mul3A_184 = arith.muli %add3A_182, %mul3A_183 : i32
      %add3A_185 = arith.constant 2 : i32
      %add3A_186 = arith.addi %mul3A_184, %add3A_185 : i32
      %mul3A_187 = arith.constant 128 : i32
      %mul3A_188 = arith.muli %add3A_186, %mul3A_187 : i32
      %add3A_189 = arith.addi %mul3A_2, %mul3A_188 : i32
      %dma_start3A_190 = tpu.memref_slice %arg2[%add3A_189] : memref<819200xi32, #tpu.memory_space<hbm>> -> memref<128xi32, #tpu.memory_space<hbm>>
      %dma_start3A_191 = tpu.memref_slice %arg2[%add3A_189] : memref<819200xi32, #tpu.memory_space<hbm>> -> memref<128xi32, #tpu.memory_space<hbm>>
      tpu.enqueue_dma source(%dma_start3A_191 : memref<128xi32, #tpu.memory_space<hbm>>) target(%arg7 : memref<128xi32, #tpu.memory_space<vmem>>) target_semaphore(%arg17 : memref<!tpu.dma_semaphore, #tpu.memory_space<semaphore_mem>>)
      %dma_wait3A_192 = arith.constant 0 : i32
      %dma_wait3A_193 = arith.constant 0 : i32
      %dma_wait3A_194 = tpu.memref_slice %arg3[%dma_wait3A_192, %dma_wait3A_193] : memref<100000x128xf32, #tpu.memory_space<hbm>> -> memref<100000x128xf32, #tpu.memory_space<hbm>>
      tpu.wait_indirect_dma semaphore(%arg23 : memref<!tpu.dma_semaphore, #tpu.memory_space<semaphore_mem>>) src(%dma_wait3A_194 : memref<100000x128xf32, #tpu.memory_space<hbm>>) dst(%arg13 : memref<128x128xf32, #tpu.memory_space<vmem>>)
      %mul3A_195 = arith.constant 5 : i32
      %mul3A_196 = arith.muli %scan3A_116, %mul3A_195 : i32
      %add3A_197 = arith.constant 3 : i32
      %add3A_198 = arith.addi %mul3A_196, %add3A_197 : i32
      %mul3A_199 = arith.constant 128 : i32
      %mul3A_200 = arith.muli %add3A_198, %mul3A_199 : i32
      %add3A_201 = arith.addi %mul3A_2, %mul3A_200 : i32
      %dma_start3A_202 = arith.constant 0 : i32
      %dma_start3A_203 = tpu.memref_slice %arg4[%add3A_201, %dma_start3A_202] : memref<819200x128xf32, #tpu.memory_space<hbm>> -> memref<128x128xf32, #tpu.memory_space<hbm>>
      %dma_start3A_204 = arith.constant 0 : i32
      %dma_start3A_205 = tpu.memref_slice %arg4[%add3A_201, %dma_start3A_204] : memref<819200x128xf32, #tpu.memory_space<hbm>> -> memref<128x128xf32, #tpu.memory_space<hbm>>
      tpu.enqueue_dma source(%arg13 : memref<128x128xf32, #tpu.memory_space<vmem>>) target(%dma_start3A_205 : memref<128x128xf32, #tpu.memory_space<hbm>>) target_semaphore(%arg28 : memref<!tpu.dma_semaphore, #tpu.memory_space<semaphore_mem>>)
      %add3A_206 = arith.constant 1 : i32
      %add3A_207 = arith.addi %scan3A_116, %add3A_206 : i32
      %mul3A_208 = arith.constant 5 : i32
      %mul3A_209 = arith.muli %add3A_207, %mul3A_208 : i32
      %add3A_210 = arith.constant 3 : i32
      %add3A_211 = arith.addi %mul3A_209, %add3A_210 : i32
      %mul3A_212 = arith.constant 128 : i32
      %mul3A_213 = arith.muli %add3A_211, %mul3A_212 : i32
      %add3A_214 = arith.addi %mul3A_2, %mul3A_213 : i32
      %dma_start3A_215 = tpu.memref_slice %arg2[%add3A_214] : memref<819200xi32, #tpu.memory_space<hbm>> -> memref<128xi32, #tpu.memory_space<hbm>>
      %dma_start3A_216 = tpu.memref_slice %arg2[%add3A_214] : memref<819200xi32, #tpu.memory_space<hbm>> -> memref<128xi32, #tpu.memory_space<hbm>>
      tpu.enqueue_dma source(%dma_start3A_216 : memref<128xi32, #tpu.memory_space<hbm>>) target(%arg8 : memref<128xi32, #tpu.memory_space<vmem>>) target_semaphore(%arg18 : memref<!tpu.dma_semaphore, #tpu.memory_space<semaphore_mem>>)
      %dma_wait3A_217 = arith.constant 0 : i32
      %dma_wait3A_218 = arith.constant 0 : i32
      %dma_wait3A_219 = tpu.memref_slice %arg3[%dma_wait3A_217, %dma_wait3A_218] : memref<100000x128xf32, #tpu.memory_space<hbm>> -> memref<100000x128xf32, #tpu.memory_space<hbm>>
      tpu.wait_indirect_dma semaphore(%arg24 : memref<!tpu.dma_semaphore, #tpu.memory_space<semaphore_mem>>) src(%dma_wait3A_219 : memref<100000x128xf32, #tpu.memory_space<hbm>>) dst(%arg14 : memref<128x128xf32, #tpu.memory_space<vmem>>)
      %mul3A_220 = arith.constant 5 : i32
      %mul3A_221 = arith.muli %scan3A_116, %mul3A_220 : i32
      %add3A_222 = arith.constant 4 : i32
      %add3A_223 = arith.addi %mul3A_221, %add3A_222 : i32
      %mul3A_224 = arith.constant 128 : i32
      %mul3A_225 = arith.muli %add3A_223, %mul3A_224 : i32
      %add3A_226 = arith.addi %mul3A_2, %mul3A_225 : i32
      %dma_start3A_227 = arith.constant 0 : i32
      %dma_start3A_228 = tpu.memref_slice %arg4[%add3A_226, %dma_start3A_227] : memref<819200x128xf32, #tpu.memory_space<hbm>> -> memref<128x128xf32, #tpu.memory_space<hbm>>
      %dma_start3A_229 = arith.constant 0 : i32
      %dma_start3A_230 = tpu.memref_slice %arg4[%add3A_226, %dma_start3A_229] : memref<819200x128xf32, #tpu.memory_space<hbm>> -> memref<128x128xf32, #tpu.memory_space<hbm>>
      tpu.enqueue_dma source(%arg14 : memref<128x128xf32, #tpu.memory_space<vmem>>) target(%dma_start3A_230 : memref<128x128xf32, #tpu.memory_space<hbm>>) target_semaphore(%arg29 : memref<!tpu.dma_semaphore, #tpu.memory_space<semaphore_mem>>)
      %add3A_231 = arith.constant 1 : i32
      %add3A_232 = arith.addi %scan3A_116, %add3A_231 : i32
      %mul3A_233 = arith.constant 5 : i32
      %mul3A_234 = arith.muli %add3A_232, %mul3A_233 : i32
      %add3A_235 = arith.constant 4 : i32
      %add3A_236 = arith.addi %mul3A_234, %add3A_235 : i32
      %mul3A_237 = arith.constant 128 : i32
      %mul3A_238 = arith.muli %add3A_236, %mul3A_237 : i32
      %add3A_239 = arith.addi %mul3A_2, %mul3A_238 : i32
      %dma_start3A_240 = tpu.memref_slice %arg2[%add3A_239] : memref<819200xi32, #tpu.memory_space<hbm>> -> memref<128xi32, #tpu.memory_space<hbm>>
      %dma_start3A_241 = tpu.memref_slice %arg2[%add3A_239] : memref<819200xi32, #tpu.memory_space<hbm>> -> memref<128xi32, #tpu.memory_space<hbm>>
      tpu.enqueue_dma source(%dma_start3A_241 : memref<128xi32, #tpu.memory_space<hbm>>) target(%arg9 : memref<128xi32, #tpu.memory_space<vmem>>) target_semaphore(%arg19 : memref<!tpu.dma_semaphore, #tpu.memory_space<semaphore_mem>>)
      %dma_wait3A_242 = arith.constant 0 : i32
      %dma_wait3A_243 = tpu.memref_slice %arg4[%mul3A_2, %dma_wait3A_242] : memref<819200x128xf32, #tpu.memory_space<hbm>> -> memref<128x128xf32, #tpu.memory_space<hbm>>
      %dma_wait3A_244 = arith.constant 0 : i32
      %dma_wait3A_245 = tpu.memref_slice %arg4[%mul3A_2, %dma_wait3A_244] : memref<819200x128xf32, #tpu.memory_space<hbm>> -> memref<128x128xf32, #tpu.memory_space<hbm>>
      tpu.wait_dma2 semaphore(%arg25 : memref<!tpu.dma_semaphore, #tpu.memory_space<semaphore_mem>>) src(%arg10 : memref<128x128xf32, #tpu.memory_space<vmem>>) dst(%dma_wait3A_245 : memref<128x128xf32, #tpu.memory_space<hbm>>)
      %dma_wait3A_246 = tpu.memref_slice %arg2[%mul3A_2] : memref<819200xi32, #tpu.memory_space<hbm>> -> memref<128xi32, #tpu.memory_space<hbm>>
      %dma_wait3A_247 = tpu.memref_slice %arg2[%mul3A_2] : memref<819200xi32, #tpu.memory_space<hbm>> -> memref<128xi32, #tpu.memory_space<hbm>>
      tpu.wait_dma2 semaphore(%arg15 : memref<!tpu.dma_semaphore, #tpu.memory_space<semaphore_mem>>) src(%dma_wait3A_247 : memref<128xi32, #tpu.memory_space<hbm>>) dst(%arg5 : memref<128xi32, #tpu.memory_space<vmem>>)
      %dma_start3A_248 = arith.constant 0 : i32
      %dma_start3A_249 = arith.constant 0 : i32
      %dma_start3A_250 = tpu.memref_slice %arg3[%dma_start3A_248, %dma_start3A_249] : memref<100000x128xf32, #tpu.memory_space<hbm>> -> memref<100000x128xf32, #tpu.memory_space<hbm>>
      tpu.enqueue_indirect_dma source(%dma_start3A_250 : memref<100000x128xf32, #tpu.memory_space<hbm>>) target(%arg10 : memref<128x128xf32, #tpu.memory_space<vmem>>) offsets(%arg5 : memref<128xi32, #tpu.memory_space<vmem>>) semaphore(%arg20 : memref<!tpu.dma_semaphore, #tpu.memory_space<semaphore_mem>>)
      %dma_wait3A_251 = arith.constant 0 : i32
      %dma_wait3A_252 = tpu.memref_slice %arg4[%mul3A_2, %dma_wait3A_251] : memref<819200x128xf32, #tpu.memory_space<hbm>> -> memref<128x128xf32, #tpu.memory_space<hbm>>
      %dma_wait3A_253 = arith.constant 0 : i32
      %dma_wait3A_254 = tpu.memref_slice %arg4[%mul3A_2, %dma_wait3A_253] : memref<819200x128xf32, #tpu.memory_space<hbm>> -> memref<128x128xf32, #tpu.memory_space<hbm>>
      tpu.wait_dma2 semaphore(%arg26 : memref<!tpu.dma_semaphore, #tpu.memory_space<semaphore_mem>>) src(%arg11 : memref<128x128xf32, #tpu.memory_space<vmem>>) dst(%dma_wait3A_254 : memref<128x128xf32, #tpu.memory_space<hbm>>)
      %dma_wait3A_255 = tpu.memref_slice %arg2[%mul3A_2] : memref<819200xi32, #tpu.memory_space<hbm>> -> memref<128xi32, #tpu.memory_space<hbm>>
      %dma_wait3A_256 = tpu.memref_slice %arg2[%mul3A_2] : memref<819200xi32, #tpu.memory_space<hbm>> -> memref<128xi32, #tpu.memory_space<hbm>>
      tpu.wait_dma2 semaphore(%arg16 : memref<!tpu.dma_semaphore, #tpu.memory_space<semaphore_mem>>) src(%dma_wait3A_256 : memref<128xi32, #tpu.memory_space<hbm>>) dst(%arg6 : memref<128xi32, #tpu.memory_space<vmem>>)
      %dma_start3A_257 = arith.constant 0 : i32
      %dma_start3A_258 = arith.constant 0 : i32
      %dma_start3A_259 = tpu.memref_slice %arg3[%dma_start3A_257, %dma_start3A_258] : memref<100000x128xf32, #tpu.memory_space<hbm>> -> memref<100000x128xf32, #tpu.memory_space<hbm>>
      tpu.enqueue_indirect_dma source(%dma_start3A_259 : memref<100000x128xf32, #tpu.memory_space<hbm>>) target(%arg11 : memref<128x128xf32, #tpu.memory_space<vmem>>) offsets(%arg6 : memref<128xi32, #tpu.memory_space<vmem>>) semaphore(%arg21 : memref<!tpu.dma_semaphore, #tpu.memory_space<semaphore_mem>>)
      %dma_wait3A_260 = arith.constant 0 : i32
      %dma_wait3A_261 = tpu.memref_slice %arg4[%mul3A_2, %dma_wait3A_260] : memref<819200x128xf32, #tpu.memory_space<hbm>> -> memref<128x128xf32, #tpu.memory_space<hbm>>
      %dma_wait3A_262 = arith.constant 0 : i32
      %dma_wait3A_263 = tpu.memref_slice %arg4[%mul3A_2, %dma_wait3A_262] : memref<819200x128xf32, #tpu.memory_space<hbm>> -> memref<128x128xf32, #tpu.memory_space<hbm>>
      tpu.wait_dma2 semaphore(%arg27 : memref<!tpu.dma_semaphore, #tpu.memory_space<semaphore_mem>>) src(%arg12 : memref<128x128xf32, #tpu.memory_space<vmem>>) dst(%dma_wait3A_263 : memref<128x128xf32, #tpu.memory_space<hbm>>)
      %dma_wait3A_264 = tpu.memref_slice %arg2[%mul3A_2] : memref<819200xi32, #tpu.memory_space<hbm>> -> memref<128xi32, #tpu.memory_space<hbm>>
      %dma_wait3A_265 = tpu.memref_slice %arg2[%mul3A_2] : memref<819200xi32, #tpu.memory_space<hbm>> -> memref<128xi32, #tpu.memory_space<hbm>>
      tpu.wait_dma2 semaphore(%arg17 : memref<!tpu.dma_semaphore, #tpu.memory_space<semaphore_mem>>) src(%dma_wait3A_265 : memref<128xi32, #tpu.memory_space<hbm>>) dst(%arg7 : memref<128xi32, #tpu.memory_space<vmem>>)
      %dma_start3A_266 = arith.constant 0 : i32
      %dma_start3A_267 = arith.constant 0 : i32
      %dma_start3A_268 = tpu.memref_slice %arg3[%dma_start3A_266, %dma_start3A_267] : memref<100000x128xf32, #tpu.memory_space<hbm>> -> memref<100000x128xf32, #tpu.memory_space<hbm>>
      tpu.enqueue_indirect_dma source(%dma_start3A_268 : memref<100000x128xf32, #tpu.memory_space<hbm>>) target(%arg12 : memref<128x128xf32, #tpu.memory_space<vmem>>) offsets(%arg7 : memref<128xi32, #tpu.memory_space<vmem>>) semaphore(%arg22 : memref<!tpu.dma_semaphore, #tpu.memory_space<semaphore_mem>>)
      %dma_wait3A_269 = arith.constant 0 : i32
      %dma_wait3A_270 = tpu.memref_slice %arg4[%mul3A_2, %dma_wait3A_269] : memref<819200x128xf32, #tpu.memory_space<hbm>> -> memref<128x128xf32, #tpu.memory_space<hbm>>
      %dma_wait3A_271 = arith.constant 0 : i32
      %dma_wait3A_272 = tpu.memref_slice %arg4[%mul3A_2, %dma_wait3A_271] : memref<819200x128xf32, #tpu.memory_space<hbm>> -> memref<128x128xf32, #tpu.memory_space<hbm>>
      tpu.wait_dma2 semaphore(%arg28 : memref<!tpu.dma_semaphore, #tpu.memory_space<semaphore_mem>>) src(%arg13 : memref<128x128xf32, #tpu.memory_space<vmem>>) dst(%dma_wait3A_272 : memref<128x128xf32, #tpu.memory_space<hbm>>)
      %dma_wait3A_273 = tpu.memref_slice %arg2[%mul3A_2] : memref<819200xi32, #tpu.memory_space<hbm>> -> memref<128xi32, #tpu.memory_space<hbm>>
      %dma_wait3A_274 = tpu.memref_slice %arg2[%mul3A_2] : memref<819200xi32, #tpu.memory_space<hbm>> -> memref<128xi32, #tpu.memory_space<hbm>>
      tpu.wait_dma2 semaphore(%arg18 : memref<!tpu.dma_semaphore, #tpu.memory_space<semaphore_mem>>) src(%dma_wait3A_274 : memref<128xi32, #tpu.memory_space<hbm>>) dst(%arg8 : memref<128xi32, #tpu.memory_space<vmem>>)
      %dma_start3A_275 = arith.constant 0 : i32
      %dma_start3A_276 = arith.constant 0 : i32
      %dma_start3A_277 = tpu.memref_slice %arg3[%dma_start3A_275, %dma_start3A_276] : memref<100000x128xf32, #tpu.memory_space<hbm>> -> memref<100000x128xf32, #tpu.memory_space<hbm>>
      tpu.enqueue_indirect_dma source(%dma_start3A_277 : memref<100000x128xf32, #tpu.memory_space<hbm>>) target(%arg13 : memref<128x128xf32, #tpu.memory_space<vmem>>) offsets(%arg8 : memref<128xi32, #tpu.memory_space<vmem>>) semaphore(%arg23 : memref<!tpu.dma_semaphore, #tpu.memory_space<semaphore_mem>>)
      %dma_wait3A_278 = arith.constant 0 : i32
      %dma_wait3A_279 = tpu.memref_slice %arg4[%mul3A_2, %dma_wait3A_278] : memref<819200x128xf32, #tpu.memory_space<hbm>> -> memref<128x128xf32, #tpu.memory_space<hbm>>
      %dma_wait3A_280 = arith.constant 0 : i32
      %dma_wait3A_281 = tpu.memref_slice %arg4[%mul3A_2, %dma_wait3A_280] : memref<819200x128xf32, #tpu.memory_space<hbm>> -> memref<128x128xf32, #tpu.memory_space<hbm>>
      tpu.wait_dma2 semaphore(%arg29 : memref<!tpu.dma_semaphore, #tpu.memory_space<semaphore_mem>>) src(%arg14 : memref<128x128xf32, #tpu.memory_space<vmem>>) dst(%dma_wait3A_281 : memref<128x128xf32, #tpu.memory_space<hbm>>)
      %dma_wait3A_282 = tpu.memref_slice %arg2[%mul3A_2] : memref<819200xi32, #tpu.memory_space<hbm>> -> memref<128xi32, #tpu.memory_space<hbm>>
      %dma_wait3A_283 = tpu.memref_slice %arg2[%mul3A_2] : memref<819200xi32, #tpu.memory_space<hbm>> -> memref<128xi32, #tpu.memory_space<hbm>>
      tpu.wait_dma2 semaphore(%arg19 : memref<!tpu.dma_semaphore, #tpu.memory_space<semaphore_mem>>) src(%dma_wait3A_283 : memref<128xi32, #tpu.memory_space<hbm>>) dst(%arg9 : memref<128xi32, #tpu.memory_space<vmem>>)
      %dma_start3A_284 = arith.constant 0 : i32
      %dma_start3A_285 = arith.constant 0 : i32
      %dma_start3A_286 = tpu.memref_slice %arg3[%dma_start3A_284, %dma_start3A_285] : memref<100000x128xf32, #tpu.memory_space<hbm>> -> memref<100000x128xf32, #tpu.memory_space<hbm>>
      tpu.enqueue_indirect_dma source(%dma_start3A_286 : memref<100000x128xf32, #tpu.memory_space<hbm>>) target(%arg14 : memref<128x128xf32, #tpu.memory_space<vmem>>) offsets(%arg9 : memref<128xi32, #tpu.memory_space<vmem>>) semaphore(%arg24 : memref<!tpu.dma_semaphore, #tpu.memory_space<semaphore_mem>>)
    }
    %scan3A_50 = arith.constant 39 : i32
    %dma_wait3A_51 = arith.constant 0 : i32
    %dma_wait3A_52 = arith.constant 0 : i32
    %dma_wait3A_53 = tpu.memref_slice %arg3[%dma_wait3A_51, %dma_wait3A_52] : memref<100000x128xf32, #tpu.memory_space<hbm>> -> memref<100000x128xf32, #tpu.memory_space<hbm>>
    tpu.wait_indirect_dma semaphore(%arg20 : memref<!tpu.dma_semaphore, #tpu.memory_space<semaphore_mem>>) src(%dma_wait3A_53 : memref<100000x128xf32, #tpu.memory_space<hbm>>) dst(%arg10 : memref<128x128xf32, #tpu.memory_space<vmem>>)
    %add3A_54 = arith.constant 24960 : i32
    %add3A_55 = arith.addi %mul3A_2, %add3A_54 : i32
    %dma_start3A_56 = arith.constant 0 : i32
    %dma_start3A_57 = tpu.memref_slice %arg4[%add3A_55, %dma_start3A_56] : memref<819200x128xf32, #tpu.memory_space<hbm>> -> memref<128x128xf32, #tpu.memory_space<hbm>>
    %dma_start3A_58 = arith.constant 0 : i32
    %dma_start3A_59 = tpu.memref_slice %arg4[%add3A_55, %dma_start3A_58] : memref<819200x128xf32, #tpu.memory_space<hbm>> -> memref<128x128xf32, #tpu.memory_space<hbm>>
    tpu.enqueue_dma source(%arg10 : memref<128x128xf32, #tpu.memory_space<vmem>>) target(%dma_start3A_59 : memref<128x128xf32, #tpu.memory_space<hbm>>) target_semaphore(%arg25 : memref<!tpu.dma_semaphore, #tpu.memory_space<semaphore_mem>>)
    %dma_wait3A_60 = arith.constant 0 : i32
    %dma_wait3A_61 = arith.constant 0 : i32
    %dma_wait3A_62 = tpu.memref_slice %arg3[%dma_wait3A_60, %dma_wait3A_61] : memref<100000x128xf32, #tpu.memory_space<hbm>> -> memref<100000x128xf32, #tpu.memory_space<hbm>>
    tpu.wait_indirect_dma semaphore(%arg21 : memref<!tpu.dma_semaphore, #tpu.memory_space<semaphore_mem>>) src(%dma_wait3A_62 : memref<100000x128xf32, #tpu.memory_space<hbm>>) dst(%arg11 : memref<128x128xf32, #tpu.memory_space<vmem>>)
    %add3A_63 = arith.constant 25088 : i32
    %add3A_64 = arith.addi %mul3A_2, %add3A_63 : i32
    %dma_start3A_65 = arith.constant 0 : i32
    %dma_start3A_66 = tpu.memref_slice %arg4[%add3A_64, %dma_start3A_65] : memref<819200x128xf32, #tpu.memory_space<hbm>> -> memref<128x128xf32, #tpu.memory_space<hbm>>
    %dma_start3A_67 = arith.constant 0 : i32
    %dma_start3A_68 = tpu.memref_slice %arg4[%add3A_64, %dma_start3A_67] : memref<819200x128xf32, #tpu.memory_space<hbm>> -> memref<128x128xf32, #tpu.memory_space<hbm>>
    tpu.enqueue_dma source(%arg11 : memref<128x128xf32, #tpu.memory_space<vmem>>) target(%dma_start3A_68 : memref<128x128xf32, #tpu.memory_space<hbm>>) target_semaphore(%arg26 : memref<!tpu.dma_semaphore, #tpu.memory_space<semaphore_mem>>)
    %dma_wait3A_69 = arith.constant 0 : i32
    %dma_wait3A_70 = arith.constant 0 : i32
    %dma_wait3A_71 = tpu.memref_slice %arg3[%dma_wait3A_69, %dma_wait3A_70] : memref<100000x128xf32, #tpu.memory_space<hbm>> -> memref<100000x128xf32, #tpu.memory_space<hbm>>
    tpu.wait_indirect_dma semaphore(%arg22 : memref<!tpu.dma_semaphore, #tpu.memory_space<semaphore_mem>>) src(%dma_wait3A_71 : memref<100000x128xf32, #tpu.memory_space<hbm>>) dst(%arg12 : memref<128x128xf32, #tpu.memory_space<vmem>>)
    %add3A_72 = arith.constant 25216 : i32
    %add3A_73 = arith.addi %mul3A_2, %add3A_72 : i32
    %dma_start3A_74 = arith.constant 0 : i32
    %dma_start3A_75 = tpu.memref_slice %arg4[%add3A_73, %dma_start3A_74] : memref<819200x128xf32, #tpu.memory_space<hbm>> -> memref<128x128xf32, #tpu.memory_space<hbm>>
    %dma_start3A_76 = arith.constant 0 : i32
    %dma_start3A_77 = tpu.memref_slice %arg4[%add3A_73, %dma_start3A_76] : memref<819200x128xf32, #tpu.memory_space<hbm>> -> memref<128x128xf32, #tpu.memory_space<hbm>>
    tpu.enqueue_dma source(%arg12 : memref<128x128xf32, #tpu.memory_space<vmem>>) target(%dma_start3A_77 : memref<128x128xf32, #tpu.memory_space<hbm>>) target_semaphore(%arg27 : memref<!tpu.dma_semaphore, #tpu.memory_space<semaphore_mem>>)
    %dma_wait3A_78 = arith.constant 0 : i32
    %dma_wait3A_79 = arith.constant 0 : i32
    %dma_wait3A_80 = tpu.memref_slice %arg3[%dma_wait3A_78, %dma_wait3A_79] : memref<100000x128xf32, #tpu.memory_space<hbm>> -> memref<100000x128xf32, #tpu.memory_space<hbm>>
    tpu.wait_indirect_dma semaphore(%arg23 : memref<!tpu.dma_semaphore, #tpu.memory_space<semaphore_mem>>) src(%dma_wait3A_80 : memref<100000x128xf32, #tpu.memory_space<hbm>>) dst(%arg13 : memref<128x128xf32, #tpu.memory_space<vmem>>)
    %add3A_81 = arith.constant 25344 : i32
    %add3A_82 = arith.addi %mul3A_2, %add3A_81 : i32
    %dma_start3A_83 = arith.constant 0 : i32
    %dma_start3A_84 = tpu.memref_slice %arg4[%add3A_82, %dma_start3A_83] : memref<819200x128xf32, #tpu.memory_space<hbm>> -> memref<128x128xf32, #tpu.memory_space<hbm>>
    %dma_start3A_85 = arith.constant 0 : i32
    %dma_start3A_86 = tpu.memref_slice %arg4[%add3A_82, %dma_start3A_85] : memref<819200x128xf32, #tpu.memory_space<hbm>> -> memref<128x128xf32, #tpu.memory_space<hbm>>
    tpu.enqueue_dma source(%arg13 : memref<128x128xf32, #tpu.memory_space<vmem>>) target(%dma_start3A_86 : memref<128x128xf32, #tpu.memory_space<hbm>>) target_semaphore(%arg28 : memref<!tpu.dma_semaphore, #tpu.memory_space<semaphore_mem>>)
    %dma_wait3A_87 = arith.constant 0 : i32
    %dma_wait3A_88 = arith.constant 0 : i32
    %dma_wait3A_89 = tpu.memref_slice %arg3[%dma_wait3A_87, %dma_wait3A_88] : memref<100000x128xf32, #tpu.memory_space<hbm>> -> memref<100000x128xf32, #tpu.memory_space<hbm>>
    tpu.wait_indirect_dma semaphore(%arg24 : memref<!tpu.dma_semaphore, #tpu.memory_space<semaphore_mem>>) src(%dma_wait3A_89 : memref<100000x128xf32, #tpu.memory_space<hbm>>) dst(%arg14 : memref<128x128xf32, #tpu.memory_space<vmem>>)
    %add3A_90 = arith.constant 25472 : i32
    %add3A_91 = arith.addi %mul3A_2, %add3A_90 : i32
    %dma_start3A_92 = arith.constant 0 : i32
    %dma_start3A_93 = tpu.memref_slice %arg4[%add3A_91, %dma_start3A_92] : memref<819200x128xf32, #tpu.memory_space<hbm>> -> memref<128x128xf32, #tpu.memory_space<hbm>>
    %dma_start3A_94 = arith.constant 0 : i32
    %dma_start3A_95 = tpu.memref_slice %arg4[%add3A_91, %dma_start3A_94] : memref<819200x128xf32, #tpu.memory_space<hbm>> -> memref<128x128xf32, #tpu.memory_space<hbm>>
    tpu.enqueue_dma source(%arg14 : memref<128x128xf32, #tpu.memory_space<vmem>>) target(%dma_start3A_95 : memref<128x128xf32, #tpu.memory_space<hbm>>) target_semaphore(%arg29 : memref<!tpu.dma_semaphore, #tpu.memory_space<semaphore_mem>>)
    %dma_wait3A_96 = arith.constant 0 : i32
    %dma_wait3A_97 = tpu.memref_slice %arg4[%mul3A_2, %dma_wait3A_96] : memref<819200x128xf32, #tpu.memory_space<hbm>> -> memref<128x128xf32, #tpu.memory_space<hbm>>
    %dma_wait3A_98 = arith.constant 0 : i32
    %dma_wait3A_99 = tpu.memref_slice %arg4[%mul3A_2, %dma_wait3A_98] : memref<819200x128xf32, #tpu.memory_space<hbm>> -> memref<128x128xf32, #tpu.memory_space<hbm>>
    tpu.wait_dma2 semaphore(%arg25 : memref<!tpu.dma_semaphore, #tpu.memory_space<semaphore_mem>>) src(%arg10 : memref<128x128xf32, #tpu.memory_space<vmem>>) dst(%dma_wait3A_99 : memref<128x128xf32, #tpu.memory_space<hbm>>)
    %dma_wait3A_100 = arith.constant 0 : i32
    %dma_wait3A_101 = tpu.memref_slice %arg4[%mul3A_2, %dma_wait3A_100] : memref<819200x128xf32, #tpu.memory_space<hbm>> -> memref<128x128xf32, #tpu.memory_space<hbm>>
    %dma_wait3A_102 = arith.constant 0 : i32
    %dma_wait3A_103 = tpu.memref_slice %arg4[%mul3A_2, %dma_wait3A_102] : memref<819200x128xf32, #tpu.memory_space<hbm>> -> memref<128x128xf32, #tpu.memory_space<hbm>>
    tpu.wait_dma2 semaphore(%arg26 : memref<!tpu.dma_semaphore, #tpu.memory_space<semaphore_mem>>) src(%arg11 : memref<128x128xf32, #tpu.memory_space<vmem>>) dst(%dma_wait3A_103 : memref<128x128xf32, #tpu.memory_space<hbm>>)
    %dma_wait3A_104 = arith.constant 0 : i32
    %dma_wait3A_105 = tpu.memref_slice %arg4[%mul3A_2, %dma_wait3A_104] : memref<819200x128xf32, #tpu.memory_space<hbm>> -> memref<128x128xf32, #tpu.memory_space<hbm>>
    %dma_wait3A_106 = arith.constant 0 : i32
    %dma_wait3A_107 = tpu.memref_slice %arg4[%mul3A_2, %dma_wait3A_106] : memref<819200x128xf32, #tpu.memory_space<hbm>> -> memref<128x128xf32, #tpu.memory_space<hbm>>
    tpu.wait_dma2 semaphore(%arg27 : memref<!tpu.dma_semaphore, #tpu.memory_space<semaphore_mem>>) src(%arg12 : memref<128x128xf32, #tpu.memory_space<vmem>>) dst(%dma_wait3A_107 : memref<128x128xf32, #tpu.memory_space<hbm>>)
    %dma_wait3A_108 = arith.constant 0 : i32
    %dma_wait3A_109 = tpu.memref_slice %arg4[%mul3A_2, %dma_wait3A_108] : memref<819200x128xf32, #tpu.memory_space<hbm>> -> memref<128x128xf32, #tpu.memory_space<hbm>>
    %dma_wait3A_110 = arith.constant 0 : i32
    %dma_wait3A_111 = tpu.memref_slice %arg4[%mul3A_2, %dma_wait3A_110] : memref<819200x128xf32, #tpu.memory_space<hbm>> -> memref<128x128xf32, #tpu.memory_space<hbm>>
    tpu.wait_dma2 semaphore(%arg28 : memref<!tpu.dma_semaphore, #tpu.memory_space<semaphore_mem>>) src(%arg13 : memref<128x128xf32, #tpu.memory_space<vmem>>) dst(%dma_wait3A_111 : memref<128x128xf32, #tpu.memory_space<hbm>>)
    %dma_wait3A_112 = arith.constant 0 : i32
    %dma_wait3A_113 = tpu.memref_slice %arg4[%mul3A_2, %dma_wait3A_112] : memref<819200x128xf32, #tpu.memory_space<hbm>> -> memref<128x128xf32, #tpu.memory_space<hbm>>
    %dma_wait3A_114 = arith.constant 0 : i32
    %dma_wait3A_115 = tpu.memref_slice %arg4[%mul3A_2, %dma_wait3A_114] : memref<819200x128xf32, #tpu.memory_space<hbm>> -> memref<128x128xf32, #tpu.memory_space<hbm>>
    tpu.wait_dma2 semaphore(%arg29 : memref<!tpu.dma_semaphore, #tpu.memory_space<semaphore_mem>>) src(%arg14 : memref<128x128xf32, #tpu.memory_space<vmem>>) dst(%dma_wait3A_115 : memref<128x128xf32, #tpu.memory_space<hbm>>)
    return
  }
}

</mosaic_0001>

<sc_bundles>
// kernel: kernel.3.cloned.1.call-start
scs
__scs_entry_jumppad:
0x0: {  	(pc) =	sbr.rel $0x88, $3  }
0x1: {  	(tag) =	ssettag $0x0;
	lr =	simm.s32 $0x1  }
0x2: {  	[smem:$0x3F9F] =	sst lr;
	_ =	strace $0xD0000000  }
0x3: {  	_ = 	snop  }
0x4: {  	_ = 	snop  }
0x5: {  	_ = 	snop  }
0x6: {  	_ = 	snop  }
0x7: {  	_ = 	snop  }
__scs_overlays_trampoline_lowered:
0x8: {  	[smem:$0x3FAE] =	sst s0  }
0x9: {  	[smem:$0x3FAF] =	sst s1  }
0xa: {  	[smem:$0x3FB0] =	sst s2  }
0xb: {  	[smem:$0x3FB1] =	sst s3  }
0xc: {  	[smem:$0x3FB2] =	sst s4  }
0xd: {  	[smem:$0x3FB3] =	sst s5  }
0xe: {  	[smem:$0x3FB4] =	sst s6  }
0xf: {  	[smem:$0x3FB5] =	sst s7  }
0x10: {  	[smem:$0x3FB6] =	sst s8  }
0x11: {  	[smem:$0x3FB7] =	sst s9;
	s0 =	simm.s32 @!p0 $0x0  }
0x12: {  	s1 =	sld [smem:$0x3F9D];
	s0 =	simm.s32 @p0 $0x1  }
0x13: {  	[smem:$0x3FB8] =	sst s0;
	s0 =	simm.s32 @!p1 $0x0  }
0x14: {  	s2 =	sld [smem:$0x3F9C];
	s0 =	simm.s32 @p1 $0x1  }
0x15: {  	[smem:$0x3FB9] =	sst s0;
	s0 =	simm.s32 @!p2 $0x0  }
0x16: {  	s3 =	sld [smem:$0x3FDB];
	s0 =	simm.s32 @p2 $0x1  }
0x17: {  	s4 =	simm.s32 $0x1BF5;
	[smem:$0x3FBB] =	sst s0  }
0x18: {  	s0 =	sld [smem:$0x3F9E];
	_ =	swait.ge [sflag:s4], $0x0  }
0x19: {  	s7 =	sld [smem:$0x3F9F]  }
0x1a: {  	s8 =	sadd.s32 $0xFFFFE003, lr  }
0x1b: {  	s9 =	sadd.s32 $0xFFFFFEF7, lr;
	s5 =	simm.s32 $0xFFFFFFFF;
	p2 =	slt.u32 s8, $0xFFFFF086  }
0x1c: {  	p1 =	slt.u32 s9, $0xF7A;
	s5 =	simm.s32 @!p2 $0x0  }
0x1d: {  	s5 =	simm.s32 @p1 $0x1;
	p0 =	seq.s32 s7, s2  }
0x1e: {  	s7 =	smul.u32 @!p0 $0xF7A, s2;
	p2 =	seq.s32 @!p0 s5, $0x0  }
0x1f: {  	s9 =	smul.u32 $0xF7A, s1;
	s8 =	simm.s32 @!p0 $0x1BF5;
	p2 =	por !p2, p0  }
0x20: {  	[sflag:s8] =	ssyncset.s32 @!p0 $0xFFFFF086;
	s6 =	sadd.s32 @!p0 s3, s7;
	s7 =	simm.s32 @!p0 $0x108  }
0x21: {  	s3 =	sadd.s32 s3, s9;
	s6 =	sadd.s32 @!p0 $0x88, s6;
	s7 =	simm.s32 @p2 $0x1082  }
0x22: {  	[simem:s7], [sflag:s8] =	dma.local @!p0 [hbm:s6], $0xF7A  }
0x23: {  	s9 =	sor.u32 $0xD0000000, s2;
	s6 =	simm.s32 $0x108;
	_ =	swait.ge @!p0 [sflag:s8], $0x0  }
0x24: {  	s3 =	sadd.s32 $0x88, s3;
	s6 =	simm.s32 @!p1 $0x1082;
	[sflag:s4] =	ssyncset.s32 $0xFFFFF086  }
0x25: {  	[simem:s6], [sflag:s4] =	dma.local [hbm:s3], $0xF7A  }
0x26: {  	[smem:$0x3F9F] =	sst s1;
	(tag) =	ssettag s2;
	_ =	strace s9  }
0x27: {  	s1 =	sld [smem:$0x3FAF]  }
0x28: {  	s2 =	sld [smem:$0x3FB0]  }
0x29: {  	s4 =	sld [smem:$0x3FB2]  }
0x2a: {  	p0 =	seq.s32 s5, $0x0;
	s5 =	sld [smem:$0x3FB3]  }
0x2b: {  	s6 =	sld [smem:$0x3FB4]  }
0x2c: {  	s7 =	sld [smem:$0x3FB5]  }
0x2d: {  	s3 =	simm.s32 $0x108;
	s8 =	sld [smem:$0x3FB6]  }
0x2e: {  	s3 =	simm.s32 @!p0 $0x1082;
	s9 =	sld [smem:$0x3FB7]  }
0x2f: {  	lr =	sadd.s32 s0, s3;
	s0 =	sld [smem:$0x3FAE]  }
0x30: {  	s3 =	sld [smem:$0x3FB1]  }
0x31: {  	[smem:$0x3FBA] =	sst s10  }
0x32: {  	s10 =	sld [smem:$0x3FB8];
	_ =	sdelay $0x3  }
0x33: {  	p0 =	seq.s32 s10, $0x1;
	s10 =	sld [smem:$0x3FBA];
	_ =	sdelay $0x3  }
0x34: {  	[smem:$0x3FBA] =	sst s10  }
0x35: {  	s10 =	sld [smem:$0x3FB9];
	_ =	sdelay $0x3  }
0x36: {  	p1 =	seq.s32 s10, $0x1;
	s10 =	sld [smem:$0x3FBA];
	_ =	sdelay $0x3  }
0x37: {  	[smem:$0x3FBA] =	sst s10  }
0x38: {  	s10 =	sld [smem:$0x3FBB]  }
0x39: {  	_ = 	snop;
	(pc) =	sbr.ind lr, $3  }
0x3a: {  	_ = 	snop  }
0x3b: {  	_ = 	snop  }
0x3c: {  	p2 =	seq.s32 s10, $0x1;
	s10 =	sld [smem:$0x3FBA]  }
0x3d: {  	_ =	shalt  }
0x3e: {  	_ =	shalt  }
0x3f: {  	_ =	shalt  }
0x40: {  	_ =	shalt  }
0x41: {  	_ =	shalt  }
0x42: {  	_ =	shalt  }
0x43: {  	_ =	shalt  }
0x44: {  	_ =	shalt  }
0x45: {  	_ =	shalt  }
0x46: {  	_ =	shalt  }
0x47: {  	_ =	shalt  }
0x48: {  	_ =	shalt  }
0x49: {  	_ =	shalt  }
0x4a: {  	_ =	shalt  }
0x4b: {  	_ =	shalt  }
0x4c: {  	_ =	shalt  }
0x4d: {  	_ =	shalt  }
0x4e: {  	_ =	shalt  }
0x4f: {  	_ =	shalt  }
0x50: {  	_ =	shalt  }
0x51: {  	_ =	shalt  }
0x52: {  	_ =	shalt  }
0x53: {  	_ =	shalt  }
0x54: {  	_ =	shalt  }
0x55: {  	_ =	shalt  }
0x56: {  	_ =	shalt  }
0x57: {  	_ =	shalt  }
0x58: {  	_ =	shalt  }
0x59: {  	_ =	shalt  }
0x5a: {  	_ =	shalt  }
0x5b: {  	_ =	shalt  }
0x5c: {  	_ =	shalt  }
0x5d: {  	_ =	shalt  }
0x5e: {  	_ =	shalt  }
0x5f: {  	_ =	shalt  }
0x60: {  	_ =	shalt  }
0x61: {  	_ =	shalt  }
0x62: {  	_ =	shalt  }
0x63: {  	_ =	shalt  }
0x64: {  	_ =	shalt  }
0x65: {  	_ =	shalt  }
0x66: {  	_ =	shalt  }
0x67: {  	_ =	shalt  }
0x68: {  	_ =	shalt  }
0x69: {  	_ =	shalt  }
0x6a: {  	_ =	shalt  }
0x6b: {  	_ =	shalt  }
0x6c: {  	_ =	shalt  }
0x6d: {  	_ =	shalt  }
0x6e: {  	_ =	shalt  }
0x6f: {  	_ =	shalt  }
0x70: {  	_ =	shalt  }
0x71: {  	_ =	shalt  }
0x72: {  	_ =	shalt  }
0x73: {  	_ =	shalt  }
0x74: {  	_ =	shalt  }
0x75: {  	_ =	shalt  }
0x76: {  	_ =	shalt  }
0x77: {  	_ =	shalt  }
0x78: {  	_ =	shalt  }
0x79: {  	_ =	shalt  }
0x7a: {  	_ =	shalt  }
0x7b: {  	_ =	shalt  }
0x7c: {  	_ =	shalt  }
0x7d: {  	_ =	shalt  }
0x7e: {  	_ =	shalt  }
0x7f: {  	_ =	shalt  }
0x80: {  	_ =	shalt  }
0x81: {  	_ =	shalt  }
0x82: {  	_ =	shalt  }
0x83: {  	_ =	shalt  }
0x84: {  	_ =	shalt  }
0x85: {  	_ =	shalt  }
0x86: {  	_ =	shalt  }
0x87: {  	_ =	shalt  }
.Lfunc_end0:
.L_simem_size_0:
called_computation_lowered:
.L_overlay_start_0:
0x88: {  	s2 =	sld [smem:$0x3FD9]  }
0x89: {  	s3 =	sld [smem:$0x3FFE];
	_ =	sdelay $0x1  }
0x8a: {  	s1 =	srdreg.scid  }
0x8b: {  	s0 =	sand.u32 $0x1, s1  }
0x8c: {  	s17 =	sshll.u32 s0, $0xA;
	s2 =	sadd.s32 s3, s2  }
0x8d: {  	s2 =	sadd.s32 s2, s17  }
0x8e: {  	[smem:$0x3FC6] =	sst s2  }
0x8f: {  	_ = 	snop  }
0x90: {  	s2 =	sld [smem:$0x3FC8]  }
0x91: {  	s18 =	sld [smem:$0x3FD0];
	(tm) =	ssettm $0x1  }
0x92: {  	s4 =	sld [smem:$0x3FFB];
	_ =	sdelay $0x3  }
0x93: {  	_ =	strace s4  }
0x94: {  	s4 =	sld [smem:$0x3FFC];
	_ =	sdelay $0x3  }
0x95: {  	_ =	strace s4  }
0x96: {  	s4 =	sld [smem:$0x3FFD];
	_ =	sdelay $0x3  }
0x97: {  	_ =	strace s4  }
0x98: {  	_ =	strace $0x8FFFFFFF  }
0x99: {  	s19 =	sld [smem:$0x3FDB];
	_ =	sdelay $0x1  }
0x9a: {  	s5 =	simm.s32 $_scs_section_size  }
0x9b: {  	s6 =	simm.s32 $_size__tile_overlayer_lowered;
	s7 =	simm.s32 $_tile_overlayer_lowered  }
0x9c: {  	s22 =	simm.s32 $0x1BFF;
	s21 =	sshll.u32 s7, $0x1;
	s4 =	sadd.s32 s5, s19  }
0x9d: {  	s8 =	simm.s32 $0x0;
	s20 =	sshll.u32 s6, $0x1;
	s6 =	sadd.s32 s21, s4  }
0x9e: {  	[timem:s8], [sflag:s22] =	dma.local [hbm:s6], s20  }
0x9f: {  	_ =	swait.ge [sflag:s22], s20  }
0xa0: {  	s5 =	ssub.s32 $0x0, s20;
	[sflag:s22] =	ssyncset.done $0x0  }
0xa1: {  	[sflag:s22] =	ssyncadd.s32 s5;
	_ =	sdelay $0x1  }
0xa2: {  	s23 =	simm.s32 $0x1B8B  }
0xa3: {  	_ =	swait.ge [sflag:s23], $0x1  }
0xa4: {  	[sflag:s23] =	ssyncset.done $0x0  }
0xa5: {  	s25 =	simm.s32 $0x1B8E;
	s24 =	sld [smem:$0x3FFE];
	[sflag:s23] =	ssyncadd.s32 $0xFFFFFFFF  }
0xa6: {  	s26 =	simm.s32 $execute0_lowered;
	[smem:$0x3FD2] =	sst s25  }
0xa7: {  	s6 =	sshll.u32 s26, $0x1;
	_ =	strace $0x80000046;
	[dreg:$0x1] =	wrdreg $0xFFFFFFFF  }
0xa8: {  	s28 =	simm.s32 $_size_execute0_lowered;
	s4 =	sadd.s32 s4, s6;
	[dreg:$0x0] =	wrdreg $0x0  }
0xa9: {  	s6 =	sshll.u32 s28, $0x1;
	[dreg:$0x2] =	wrdreg s4  }
0xaa: {  	[dreg:$0x3] =	wrdreg s6  }
0xab: {  	[dreg:$0x4] =	wrdreg $0xC0  }
0xac: {  	_ =	task [dreg:s8], $0x5FFFF  }
0xad: {  	[dreg:$0x1] =	wrdreg $0xFFFFFFFF  }
0xae: {  	[dreg:$0x0] =	wrdreg $0x60  }
0xaf: {  	[dreg:$0x2] =	wrdreg s24  }
0xb0: {  	[dreg:$0x3] =	wrdreg s2  }
0xb1: {  	[dreg:$0x4] =	wrdreg s18  }
0xb2: {  	[dreg:$0x5] =	wrdreg $0x9  }
0xb3: {  	_ =	task.clear_ibuf [dreg:s8], $0x6FFFF;
	_ =	strace $0x90000046  }
0xb4: {  	s29 =	simm.s32 $0x9;
	_ =	strace $0x80000048  }
0xb5: {  	_ =	swait.ge [sflag:s29], $0x1  }
0xb6: {  	[sflag:s29] =	ssyncadd.s32 $0xFFFFFFFF  }
0xb7: {  	_ =	strace $0x90000048  }
0xb8: {  	_ =	sfence  }
0xb9: {  	s30 =	sld [smem:$0x0];
	_ =	sdelay $0x2  }
0xba: {  	s31 =	sshll.u32 s1, $0xD;
	s1 =	sshrl.u32 s1, $0x2  }
0xbb: {  	s3 =	sand.u32 $0x4000, s31;
	s1 =	sadd.s32 s1, s30  }
0xbc: {  	s0 =	sor.u32 s3, s0;
	s1 =	sshll.u32 s1, $0x11  }
0xbd: {  	s0 =	sor.u32 s1, s0  }
0xbe: {  	s0 =	sadd.s32 $0x8F2B, s0  }
0xbf: {  	[sflag:s0] =	ssyncadd.remote.s32 $0x1  }
0xc0: {  	_ =	sfence.sel $0xFFFF  }
0xc1: {  	[dreg:$0x0] =	wrdreg $0xFFFFFFFF;
	(pc) =	sbr.abs _section_cstart, $3  }
0xc2: {  	[dreg:$0x1] =	wrdreg $0xFFFFFFFF  }
0xc3: {  	_ =	task.clear_ibuf [dreg:s8], $0x2FFFF;
	_ =	strace $0x9FFFFFFF  }
0xc4: {  	(tm) =	ssettm $0x7FFFFFFF  }
0xc5: {  	_ =	shalt  }
tec
execute0_lowered:
.L_overlay_start_1:
0x0: {  	(tag) =	ssettag $0x1  }
0x1: {  	s0 =	rddreg [dreg:$0x0]  }
0x2: {  	s2 =	rddreg [dreg:$0x1];
	s1 =	srdreg.scid  }
0x3: {  	s10 =	stileid.u32;
	s4 =	rddreg [dreg:$0x2];
	s3 =	simm.s32 $0x0  }
0x4: {  	s28 =	simm.s32 $0xC280;
	s29 =	simm.s32 $0x5;
	s30 =	simm.s32 $0x10280  }
0x5: {  	s31 =	simm.s32 $0x6;
	s1 =	sand.u32 $0x1, s1;
	s26 =	smul.u32 $0xC800, s10  }
0x6: {  	s5 =	sshll.u32 s10, $0x1;
	[smem:$0x7FF] =	sst s3;
	s12 =	smul.u32 $0x6400, s1  }
0x7: {  	s5 =	sor.u32 s1, s5;
	s7 =	ssub.s32 $0x2, s1;
	s1 =	smul.u32 $0x64000, s1  }
0x8: {  	s0 =	sadd.s32 $0x400, s0;
	s6 =	smul.u32 $0x6400, s5;
	s8 =	sshrl.u32 s7, $0x1  }
0x9: {  	_ =	strace $0x80000047;
	s5 =	smul.u32 $0x320000, s5;
	s24 =	ssub.s32 s7, s8  }
0xa: {  	s7 =	sadd.s32 s12, s26;
	s12 =	simm.s32 $0x0;
	s6 =	sshrl.u32 s6, $0x3  }
0xb: {  	s5 =	sshrl.u32 s5, $0x3;
	s17 =	sadd.s32 $0x480, s7;
	s19 =	sadd.s32 $0x400, s7  }
0xc: {  	s20 =	sor.u32 $0x380, s7;
	s9 =	sadd.s32 s0, s6;
	s5 =	sadd.s32 s4, s5  }
0xd: {  	s18 =	sshrl.u32 s17, $0x3;
	s8 =	sshrl.u32 s19, $0x3;
	s22 =	sshrl.u32 s20, $0x3  }
0xe: {  	s6 =	smax.u32 s24, $0x1;
	s24 =	sor.u32 $0x300, s7;
	[dreg:$0x9] =	wrdreg s9  }
0xf: {  	s7 =	sor.u32 $0x280, s7;
	s25 =	sadd.s32 $0x10, s9;
	[dreg:$0x13] =	wrdreg s6  }
0x10: {  	s17 =	simm.s32 $0x100;
	s11 =	sadd.s32 $0x20, s9;
	[dreg:$0xa] =	wrdreg s25  }
0x11: {  	s19 =	simm.s32 $0x200;
	s13 =	sadd.s32 $0x61800, s5;
	[dreg:$0xb] =	wrdreg s11  }
0x12: {  	s20 =	simm.s32 $0x1;
	s14 =	sadd.s32 $0x62000, s5;
	[dreg:$0xe] =	wrdreg s13  }
0x13: {  	s15 =	sadd.s32 $0x62800, s5;
	s16 =	sadd.s32 $0x63000, s5;
	[dreg:$0xf] =	wrdreg s14  }
0x14: {  	s5 =	sadd.s32 $0x63800, s5;
	s21 =	sadd.s32 s8, s0;
	[dreg:$0x10] =	wrdreg s15  }
0x15: {  	s23 =	sadd.s32 s22, s0;
	s7 =	sshrl.u32 s7, $0x3;
	[dreg:$0x11] =	wrdreg s16  }
0x16: {  	s22 =	simm.s32 $0x2;
	s6 =	simm.s32 $0xA;
	[dreg:$0x12] =	wrdreg s5  }
0x17: {  	s8 =	simm.s32 $0xC;
	s11 =	sadd.s32 $0x30, s9;
	[dreg:$0x5] =	wrdreg s21  }
0x18: {  	s9 =	sadd.s32 $0x40, s9;
	s5 =	sadd.s32 s18, s0;
	[dreg:$0x6] =	wrdreg s23  }
0x19: {  	s25 =	smul.u32 $0xC8000, s10;
	s16 =	simm.s32 $0x80;
	[dreg:$0xc] =	wrdreg s11  }
0x1a: {  	s18 =	simm.s32 $0x180;
	s21 =	simm.s32 $0x280;
	[dreg:$0xd] =	wrdreg s9  }
0x1b: {  	s23 =	simm.s32 $0x4280;
	s10 =	simm.s32 $0xE;
	[dreg:$0x4] =	wrdreg s5  }
0x1c: {  	s5 =	sshrl.u32 s24, $0x3;
	s24 =	simm.s32 $0x3;
	s9 =	simm.s32 $0xD  }
0x1d: {  	s11 =	simm.s32 $0xF;
	s5 =	sadd.s32 s5, s0;
	s4 =	sadd.s32 s25, s4  }
0x1e: {  	s0 =	sadd.s32 s7, s0;
	s25 =	simm.s32 $0x8280;
	[dreg:$0x7] =	wrdreg s5  }
0x1f: {  	s7 =	simm.s32 $0xB;
	s1 =	sadd.s32 s1, s4;
	[dreg:$0x8] =	wrdreg s0  }
0x20: {  	s0 =	simm.s32 $0x8;
	s5 =	simm.s32 $0x9;
	s26 =	sadd.s32 $0x2000, s1  }
0x21: {  	s1 =	simm.s32 $0x7;
	[dreg:$0x14] =	wrdreg s26;
	s26 =	simm.s32 $0x4  }
.LBB2_1:
0x22: {  	[dreg:$0x15] =	wrdreg s12  }
0x23: {  	s4 =	rddreg [dreg:$0x9]  }
0x24: {  	[tilespmem:s3], [sflag:$0x1] =	stream.linear.gather [hbm4b:s4+s3], $0x80, $0x38;
	[tilespmem:$0x14280] =	vst v63  }
0x25: {  	s14 =	rddreg [dreg:$0xa]  }
0x26: {  	[tilespmem:s16], [sflag:$0x2] =	stream.linear.gather [hbm4b:s14+s3], $0x80, $0x38;
	[tilespmem:$0x14280] =	vst v63  }
0x27: {  	s15 =	rddreg [dreg:$0xb]  }
0x28: {  	[tilespmem:s17], [sflag:$0x3] =	stream.linear.gather [hbm4b:s15+s3], $0x80, $0x38;
	[tilespmem:$0x14280] =	vst v63  }
0x29: {  	s12 =	rddreg [dreg:$0xc]  }
0x2a: {  	[tilespmem:s18], [sflag:$0x4] =	stream.linear.gather [hbm4b:s12+s3], $0x80, $0x38;
	[tilespmem:$0x14280] =	vst v63  }
0x2b: {  	s13 =	rddreg [dreg:$0xd]  }
0x2c: {  	[tilespmem:s19], [sflag:$0x5] =	stream.linear.gather [hbm4b:s13+s3], $0x80, $0x38;
	[tilespmem:$0x14280] =	vst v63  }
0x2d: {  	_ =	swait.ge [sflag:s20], $0x80  }
0x2e: {  	[sflag:s20] =	ssyncset.done $0x0  }
0x2f: {  	[sflag:s20] =	ssyncadd.s32 $0xFFFFFF80  }
0x30: {  	[tilespmem:s21], [sflag:$0x6] =	stream.indirect.gather [hbm4b:s2+s16], $0x80, s3, s16, $0xb8;
	[tilespmem:$0x14280] =	vst v63  }
0x31: {  	_ =	swait.ge [sflag:s22], $0x80  }
0x32: {  	[sflag:s22] =	ssyncset.done $0x0  }
0x33: {  	[sflag:s22] =	ssyncadd.s32 $0xFFFFFF80  }
0x34: {  	[tilespmem:s23], [sflag:$0x7] =	stream.indirect.gather [hbm4b:s2+s16], $0x80, s16, s16, $0xb8;
	[tilespmem:$0x14280] =	vst v63  }
0x35: {  	_ =	swait.ge [sflag:s24], $0x80  }
0x36: {  	[sflag:s24] =	ssyncset.done $0x0  }
0x37: {  	[sflag:s24] =	ssyncadd.s32 $0xFFFFFF80  }
0x38: {  	[tilespmem:s25], [sflag:$0x8] =	stream.indirect.gather [hbm4b:s2+s16], $0x80, s17, s16, $0xb8;
	[tilespmem:$0x14280] =	vst v63  }
0x39: {  	_ =	swait.ge [sflag:s26], $0x80  }
0x3a: {  	[sflag:s26] =	ssyncset.done $0x0  }
0x3b: {  	[sflag:s26] =	ssyncadd.s32 $0xFFFFFF80  }
0x3c: {  	[tilespmem:s28], [sflag:$0x9] =	stream.indirect.gather [hbm4b:s2+s16], $0x80, s18, s16, $0xb8;
	[tilespmem:$0x14280] =	vst v63  }
0x3d: {  	_ =	swait.ge [sflag:s29], $0x80  }
0x3e: {  	[sflag:s29] =	ssyncset.done $0x0  }
0x3f: {  	[sflag:s29] =	ssyncadd.s32 $0xFFFFFF80  }
0x40: {  	[tilespmem:s30], [sflag:$0xA] =	stream.indirect.gather [hbm4b:s2+s16], $0x80, s19, s16, $0xb8;
	[tilespmem:$0x14280] =	vst v63  }
0x41: {  	_ =	swait.ge [sflag:s31], $0x4000  }
0x42: {  	[sflag:s31] =	ssyncset.done $0x0;
	s12 =	rddreg [dreg:$0x14]  }
0x43: {  	s14 =	rddreg [dreg:$0x8];
	[sflag:s31] =	ssyncadd.s32 $0xFFFFC000;
	s13 =	sadd.s32 $0xFFFFE000, s12  }
0x44: {  	[hbm4b:s13+s3] =	stream.linear.scatter [tilespmem:s21], [sflag:$0xB], $0x4000, $0x38;
	[tilespmem:$0x14280] =	vst v63  }
0x45: {  	s4 =	sadd.s32 $0x0, s14  }
0x46: {  	[tilespmem:s3], [sflag:$0x1] =	stream.linear.gather [hbm4b:s4+s3], $0x80, $0x38;
	[tilespmem:$0x14280] =	vst v63  }
0x47: {  	_ =	swait.ge [sflag:s1], $0x4000  }
0x48: {  	[sflag:s1] =	ssyncset.done $0x0  }
0x49: {  	s14 =	sadd.s32 $0xFFFFE800, s12;
	s15 =	rddreg [dreg:$0x7];
	[sflag:s1] =	ssyncadd.s32 $0xFFFFC000  }
0x4a: {  	[hbm4b:s14+s3] =	stream.linear.scatter [tilespmem:s23], [sflag:$0xC], $0x4000, $0x38;
	[tilespmem:$0x14280] =	vst v63  }
0x4b: {  	s4 =	sadd.s32 $0x0, s15  }
0x4c: {  	[tilespmem:s16], [sflag:$0x2] =	stream.linear.gather [hbm4b:s4+s3], $0x80, $0x38;
	[tilespmem:$0x14280] =	vst v63  }
0x4d: {  	_ =	swait.ge [sflag:s0], $0x4000  }
0x4e: {  	[sflag:s0] =	ssyncset.done $0x0  }
0x4f: {  	s14 =	sadd.s32 $0xFFFFF000, s12;
	s15 =	rddreg [dreg:$0x6];
	[sflag:s0] =	ssyncadd.s32 $0xFFFFC000  }
0x50: {  	[hbm4b:s14+s3] =	stream.linear.scatter [tilespmem:s25], [sflag:$0xD], $0x4000, $0x38;
	[tilespmem:$0x14280] =	vst v63  }
0x51: {  	s4 =	sadd.s32 $0x0, s15  }
0x52: {  	[tilespmem:s17], [sflag:$0x3] =	stream.linear.gather [hbm4b:s4+s3], $0x80, $0x38;
	[tilespmem:$0x14280] =	vst v63  }
0x53: {  	_ =	swait.ge [sflag:s5], $0x4000  }
0x54: {  	[sflag:s5] =	ssyncset.done $0x0  }
0x55: {  	s14 =	sadd.s32 $0xFFFFF800, s12;
	s15 =	rddreg [dreg:$0x5];
	[sflag:s5] =	ssyncadd.s32 $0xFFFFC000  }
0x56: {  	[hbm4b:s14+s3] =	stream.linear.scatter [tilespmem:s28], [sflag:$0xE], $0x4000, $0x38;
	[tilespmem:$0x14280] =	vst v63  }
0x57: {  	s4 =	sadd.s32 $0x0, s15  }
0x58: {  	[tilespmem:s18], [sflag:$0x4] =	stream.linear.gather [hbm4b:s4+s3], $0x80, $0x38;
	[tilespmem:$0x14280] =	vst v63  }
0x59: {  	_ =	swait.ge [sflag:s6], $0x4000  }
0x5a: {  	[sflag:s6] =	ssyncset.done $0x0  }
0x5b: {  	s15 =	rddreg [dreg:$0x4];
	[sflag:s6] =	ssyncadd.s32 $0xFFFFC000  }
0x5c: {  	[hbm4b:s12+s3] =	stream.linear.scatter [tilespmem:s30], [sflag:$0xF], $0x4000, $0x38;
	[tilespmem:$0x14280] =	vst v63  }
0x5d: {  	s4 =	sadd.s32 $0x0, s15  }
0x5e: {  	[tilespmem:s19], [sflag:$0x5] =	stream.linear.gather [hbm4b:s4+s3], $0x80, $0x38;
	[tilespmem:$0x14280] =	vst v63  }
0x5f: {  	_ =	swait.ge [sflag:s7], $0x4000  }
0x60: {  	[sflag:s7] =	ssyncset.done $0x0  }
0x61: {  	[sflag:s7] =	ssyncadd.s32 $0xFFFFC000  }
0x62: {  	_ =	swait.ge [sflag:s20], $0x80  }
0x63: {  	[sflag:s20] =	ssyncset.done $0x0  }
0x64: {  	[sflag:s20] =	ssyncadd.s32 $0xFFFFFF80  }
0x65: {  	[tilespmem:s21], [sflag:$0x6] =	stream.indirect.gather [hbm4b:s2+s16], $0x80, s3, s16, $0xb8;
	[tilespmem:$0x14280] =	vst v63  }
0x66: {  	_ =	swait.ge [sflag:s8], $0x4000  }
0x67: {  	[sflag:s8] =	ssyncset.done $0x0  }
0x68: {  	[sflag:s8] =	ssyncadd.s32 $0xFFFFC000  }
0x69: {  	_ =	swait.ge [sflag:s22], $0x80  }
0x6a: {  	[sflag:s22] =	ssyncset.done $0x0  }
0x6b: {  	[sflag:s22] =	ssyncadd.s32 $0xFFFFFF80  }
0x6c: {  	[tilespmem:s23], [sflag:$0x7] =	stream.indirect.gather [hbm4b:s2+s16], $0x80, s16, s16, $0xb8;
	[tilespmem:$0x14280] =	vst v63  }
0x6d: {  	_ =	swait.ge [sflag:s9], $0x4000  }
0x6e: {  	[sflag:s9] =	ssyncset.done $0x0  }
0x6f: {  	[sflag:s9] =	ssyncadd.s32 $0xFFFFC000  }
0x70: {  	_ =	swait.ge [sflag:s24], $0x80  }
0x71: {  	[sflag:s24] =	ssyncset.done $0x0  }
0x72: {  	[sflag:s24] =	ssyncadd.s32 $0xFFFFFF80  }
0x73: {  	[tilespmem:s25], [sflag:$0x8] =	stream.indirect.gather [hbm4b:s2+s16], $0x80, s17, s16, $0xb8;
	[tilespmem:$0x14280] =	vst v63  }
0x74: {  	_ =	swait.ge [sflag:s10], $0x4000  }
0x75: {  	[sflag:s10] =	ssyncset.done $0x0  }
0x76: {  	[sflag:s10] =	ssyncadd.s32 $0xFFFFC000  }
0x77: {  	_ =	swait.ge [sflag:s26], $0x80  }
0x78: {  	[sflag:s26] =	ssyncset.done $0x0  }
0x79: {  	[sflag:s26] =	ssyncadd.s32 $0xFFFFFF80  }
0x7a: {  	[tilespmem:s28], [sflag:$0x9] =	stream.indirect.gather [hbm4b:s2+s16], $0x80, s18, s16, $0xb8;
	[tilespmem:$0x14280] =	vst v63  }
0x7b: {  	_ =	swait.ge [sflag:s11], $0x4000  }
0x7c: {  	[sflag:s11] =	ssyncset.done $0x0  }
0x7d: {  	[sflag:s11] =	ssyncadd.s32 $0xFFFFC000  }
0x7e: {  	_ =	swait.ge [sflag:s29], $0x80  }
0x7f: {  	[sflag:s29] =	ssyncset.done $0x0  }
0x80: {  	s13 =	simm.s32 $0x50;
	s14 =	sadd.s32 $0x2800, s12;
	[sflag:s29] =	ssyncadd.s32 $0xFFFFFF80  }
.LBB2_2:
0x81: {  	[tilespmem:s30], [sflag:$0xA] =	stream.indirect.gather [hbm4b:s2+s16], $0x80, s19, s16, $0xb8;
	[tilespmem:$0x14280] =	vst v63  }
0x82: {  	_ =	swait.ge [sflag:s31], $0x4000  }
0x83: {  	s4 =	smov.u32 s13;
	[sflag:s31] =	ssyncset.done $0x0  }
0x84: {  	s12 =	sadd.s32 $0xFFFFE000, s14;
	s15 =	rddreg [dreg:$0x8];
	[sflag:s31] =	ssyncadd.s32 $0xFFFFC000  }
0x85: {  	[hbm4b:s12+s3] =	stream.linear.scatter [tilespmem:s21], [sflag:$0xB], $0x4000, $0x38;
	[tilespmem:$0x14280] =	vst v63  }
0x86: {  	s15 =	sadd.s32 s4, s15  }
0x87: {  	[tilespmem:s3], [sflag:$0x1] =	stream.linear.gather [hbm4b:s15+s3], $0x80, $0x38;
	[tilespmem:$0x14280] =	vst v63  }
0x88: {  	_ =	swait.ge [sflag:s1], $0x4000  }
0x89: {  	[sflag:s1] =	ssyncset.done $0x0  }
0x8a: {  	s15 =	sadd.s32 $0xFFFFE800, s14;
	s12 =	rddreg [dreg:$0x7];
	[sflag:s1] =	ssyncadd.s32 $0xFFFFC000  }
0x8b: {  	[hbm4b:s15+s3] =	stream.linear.scatter [tilespmem:s23], [sflag:$0xC], $0x4000, $0x38;
	[tilespmem:$0x14280] =	vst v63  }
0x8c: {  	s12 =	sadd.s32 s4, s12  }
0x8d: {  	[tilespmem:s16], [sflag:$0x2] =	stream.linear.gather [hbm4b:s12+s3], $0x80, $0x38;
	[tilespmem:$0x14280] =	vst v63  }
0x8e: {  	_ =	swait.ge [sflag:s0], $0x4000  }
0x8f: {  	[sflag:s0] =	ssyncset.done $0x0  }
0x90: {  	s15 =	sadd.s32 $0xFFFFF000, s14;
	s12 =	rddreg [dreg:$0x6];
	[sflag:s0] =	ssyncadd.s32 $0xFFFFC000  }
0x91: {  	[hbm4b:s15+s3] =	stream.linear.scatter [tilespmem:s25], [sflag:$0xD], $0x4000, $0x38;
	[tilespmem:$0x14280] =	vst v63  }
0x92: {  	s12 =	sadd.s32 s4, s12  }
0x93: {  	[tilespmem:s17], [sflag:$0x3] =	stream.linear.gather [hbm4b:s12+s3], $0x80, $0x38;
	[tilespmem:$0x14280] =	vst v63  }
0x94: {  	_ =	swait.ge [sflag:s5], $0x4000  }
0x95: {  	[sflag:s5] =	ssyncset.done $0x0  }
0x96: {  	s15 =	sadd.s32 $0xFFFFF800, s14;
	s12 =	rddreg [dreg:$0x5];
	[sflag:s5] =	ssyncadd.s32 $0xFFFFC000  }
0x97: {  	[hbm4b:s15+s3] =	stream.linear.scatter [tilespmem:s28], [sflag:$0xE], $0x4000, $0x38;
	[tilespmem:$0x14280] =	vst v63  }
0x98: {  	s12 =	sadd.s32 s4, s12  }
0x99: {  	[tilespmem:s18], [sflag:$0x4] =	stream.linear.gather [hbm4b:s12+s3], $0x80, $0x38;
	[tilespmem:$0x14280] =	vst v63  }
0x9a: {  	_ =	swait.ge [sflag:s6], $0x4000  }
0x9b: {  	[sflag:s6] =	ssyncset.done $0x0  }
0x9c: {  	s15 =	rddreg [dreg:$0x4];
	[sflag:s6] =	ssyncadd.s32 $0xFFFFC000  }
0x9d: {  	[hbm4b:s14+s3] =	stream.linear.scatter [tilespmem:s30], [sflag:$0xF], $0x4000, $0x38;
	[tilespmem:$0x14280] =	vst v63  }
0x9e: {  	s4 =	sadd.s32 s4, s15  }
0x9f: {  	[tilespmem:s19], [sflag:$0x5] =	stream.linear.gather [hbm4b:s4+s3], $0x80, $0x38;
	[tilespmem:$0x14280] =	vst v63  }
0xa0: {  	_ =	swait.ge [sflag:s7], $0x4000  }
0xa1: {  	[sflag:s7] =	ssyncset.done $0x0  }
0xa2: {  	[sflag:s7] =	ssyncadd.s32 $0xFFFFC000  }
0xa3: {  	_ =	swait.ge [sflag:s20], $0x80  }
0xa4: {  	[sflag:s20] =	ssyncset.done $0x0  }
0xa5: {  	[sflag:s20] =	ssyncadd.s32 $0xFFFFFF80  }
0xa6: {  	[tilespmem:s21], [sflag:$0x6] =	stream.indirect.gather [hbm4b:s2+s16], $0x80, s3, s16, $0xb8;
	[tilespmem:$0x14280] =	vst v63  }
0xa7: {  	_ =	swait.ge [sflag:s8], $0x4000  }
0xa8: {  	[sflag:s8] =	ssyncset.done $0x0  }
0xa9: {  	[sflag:s8] =	ssyncadd.s32 $0xFFFFC000  }
0xaa: {  	_ =	swait.ge [sflag:s22], $0x80  }
0xab: {  	[sflag:s22] =	ssyncset.done $0x0  }
0xac: {  	[sflag:s22] =	ssyncadd.s32 $0xFFFFFF80  }
0xad: {  	[tilespmem:s23], [sflag:$0x7] =	stream.indirect.gather [hbm4b:s2+s16], $0x80, s16, s16, $0xb8;
	[tilespmem:$0x14280] =	vst v63  }
0xae: {  	_ =	swait.ge [sflag:s9], $0x4000  }
0xaf: {  	[sflag:s9] =	ssyncset.done $0x0  }
0xb0: {  	[sflag:s9] =	ssyncadd.s32 $0xFFFFC000  }
0xb1: {  	_ =	swait.ge [sflag:s24], $0x80  }
0xb2: {  	[sflag:s24] =	ssyncset.done $0x0  }
0xb3: {  	[sflag:s24] =	ssyncadd.s32 $0xFFFFFF80  }
0xb4: {  	[tilespmem:s25], [sflag:$0x8] =	stream.indirect.gather [hbm4b:s2+s16], $0x80, s17, s16, $0xb8;
	[tilespmem:$0x14280] =	vst v63  }
0xb5: {  	_ =	swait.ge [sflag:s10], $0x4000  }
0xb6: {  	[sflag:s10] =	ssyncset.done $0x0  }
0xb7: {  	[sflag:s10] =	ssyncadd.s32 $0xFFFFC000  }
0xb8: {  	_ =	swait.ge [sflag:s26], $0x80  }
0xb9: {  	[sflag:s26] =	ssyncset.done $0x0  }
0xba: {  	[sflag:s26] =	ssyncadd.s32 $0xFFFFFF80  }
0xbb: {  	[tilespmem:s28], [sflag:$0x9] =	stream.indirect.gather [hbm4b:s2+s16], $0x80, s18, s16, $0xb8;
	[tilespmem:$0x14280] =	vst v63  }
0xbc: {  	p0 =	sne.s32 s13, $0xBE0;
	_ =	swait.ge [sflag:s11], $0x4000  }
.Ltmp0:
0xbd: {  	[sflag:s11] =	ssyncset.done $0x0;
	(pc) =	sbr.rel @p0 .LBB2_2-.Ltmp0, $4  }
0xbe: {  	[sflag:s11] =	ssyncadd.s32 $0xFFFFC000  }
0xbf: {  	_ =	swait.ge [sflag:s29], $0x80  }
0xc0: {  	[sflag:s29] =	ssyncset.done $0x0  }
0xc1: {  	s13 =	sadd.s32 $0x50, s13;
	s14 =	sadd.s32 $0x2800, s14;
	[sflag:s29] =	ssyncadd.s32 $0xFFFFFF80  }
0xc2: {  	[tilespmem:s30], [sflag:$0xA] =	stream.indirect.gather [hbm4b:s2+s16], $0x80, s19, s16, $0xb8;
	[tilespmem:$0x14280] =	vst v63  }
0xc3: {  	_ =	swait.ge [sflag:s31], $0x4000  }
0xc4: {  	[sflag:s31] =	ssyncset.done $0x0  }
0xc5: {  	s4 =	rddreg [dreg:$0xe];
	[sflag:s31] =	ssyncadd.s32 $0xFFFFC000  }
0xc6: {  	[hbm4b:s4+s3] =	stream.linear.scatter [tilespmem:s21], [sflag:$0xB], $0x4000, $0x38;
	[tilespmem:$0x14280] =	vst v63  }
0xc7: {  	_ =	swait.ge [sflag:s1], $0x4000  }
0xc8: {  	[sflag:s1] =	ssyncset.done $0x0  }
0xc9: {  	s15 =	rddreg [dreg:$0xf];
	[sflag:s1] =	ssyncadd.s32 $0xFFFFC000  }
0xca: {  	[hbm4b:s15+s3] =	stream.linear.scatter [tilespmem:s23], [sflag:$0xC], $0x4000, $0x38;
	[tilespmem:$0x14280] =	vst v63  }
0xcb: {  	_ =	swait.ge [sflag:s0], $0x4000  }
0xcc: {  	[sflag:s0] =	ssyncset.done $0x0  }
0xcd: {  	s12 =	rddreg [dreg:$0x10];
	[sflag:s0] =	ssyncadd.s32 $0xFFFFC000  }
0xce: {  	[hbm4b:s12+s3] =	stream.linear.scatter [tilespmem:s25], [sflag:$0xD], $0x4000, $0x38;
	[tilespmem:$0x14280] =	vst v63  }
0xcf: {  	_ =	swait.ge [sflag:s5], $0x4000  }
0xd0: {  	[sflag:s5] =	ssyncset.done $0x0  }
0xd1: {  	s13 =	rddreg [dreg:$0x11];
	[sflag:s5] =	ssyncadd.s32 $0xFFFFC000  }
0xd2: {  	[hbm4b:s13+s3] =	stream.linear.scatter [tilespmem:s28], [sflag:$0xE], $0x4000, $0x38;
	[tilespmem:$0x14280] =	vst v63  }
0xd3: {  	_ =	swait.ge [sflag:s6], $0x4000  }
0xd4: {  	[sflag:s6] =	ssyncset.done $0x0  }
0xd5: {  	s14 =	rddreg [dreg:$0x12];
	[sflag:s6] =	ssyncadd.s32 $0xFFFFC000  }
0xd6: {  	[hbm4b:s14+s3] =	stream.linear.scatter [tilespmem:s30], [sflag:$0xF], $0x4000, $0x38;
	[tilespmem:$0x14280] =	vst v63  }
0xd7: {  	_ =	swait.ge [sflag:s7], $0x4000  }
0xd8: {  	[sflag:s7] =	ssyncset.done $0x0  }
0xd9: {  	[sflag:s7] =	ssyncadd.s32 $0xFFFFC000  }
0xda: {  	_ =	swait.ge [sflag:s8], $0x4000  }
0xdb: {  	[sflag:s8] =	ssyncset.done $0x0  }
0xdc: {  	[sflag:s8] =	ssyncadd.s32 $0xFFFFC000  }
0xdd: {  	_ =	swait.ge [sflag:s9], $0x4000  }
0xde: {  	[sflag:s9] =	ssyncset.done $0x0  }
0xdf: {  	[sflag:s9] =	ssyncadd.s32 $0xFFFFC000  }
0xe0: {  	_ =	swait.ge [sflag:s10], $0x4000  }
0xe1: {  	[sflag:s10] =	ssyncset.done $0x0  }
0xe2: {  	[sflag:s10] =	ssyncadd.s32 $0xFFFFC000  }
0xe3: {  	_ =	swait.ge [sflag:s11], $0x4000  }
0xe4: {  	s12 =	rddreg [dreg:$0x15]  }
0xe5: {  	s15 =	rddreg [dreg:$0x13];
	s12 =	sadd.s32 $0x1, s12  }
0xe6: {  	p0 =	sne.s32 s12, s15  }
.Ltmp1:
0xe7: {  	_ = 	snop;
	(pc) =	sbr.rel @p0 .LBB2_1-.Ltmp1, $3  }
0xe8: {  	_ =	sdelay $0x1  }
0xe9: {  	[sflag:s11] =	ssyncset.done $0x0  }
0xea: {  	[sflag:s11] =	ssyncadd.s32 $0xFFFFC000  }
0xeb: {  	_ =	sfence.sel $0x180000  }
0xec: {  	[bflag:$0x0] =	sbarrier.arrive $0xFFFF  }
0xed: {  	_ =	strace $0x90000047  }
0xee: {  	s0 =	stileid.u32;
	[bflag:$0x2] =	sbarrier.arrive $0xFFFF  }
0xef: {  	p0 =	sne.s32 s0, $0x0;
	s0 =	rddreg [dreg:$0x3]  }
0xf0: {  	s0 =	sadd.s32 @!p0 $0x100000, s0  }
0xf1: {  	[sflag:s0] =	ssyncadd.tile.s32 @!p0 $0x1;
	_ =	shalt  }
.Lfunc_end2:
_tile_overlayer_lowered:
.L_overlay_start_2:
0xf2: {  	(tag) =	ssettag $0x2  }
0xf3: {  	s0 =	rddreg [dreg:$0x0];
	s2 =	stileid.u32  }
0xf4: {  	s1 =	rddreg [dreg:$0x1];
	p0 =	sne.s32 s2, $0x0  }
0xf5: {  	s3 =	rddreg [dreg:$0x2];
	[bflag:$0x3] =	sbarrier.arrive $0xFFFF;
	s2 =	simm.s32 @!p0 $0x1C10  }
0xf6: {  	[timem:s3], [sflag:s2] =	dma.local @!p0 [hbm:s0], s1  }
0xf7: {  	s0 =	simm.s32 @!p0 $0x10  }
0xf8: {  	_ =	swait.ge @!p0 [sflag:s0], s1  }
0xf9: {  	s1 =	ssub.s32 @!p0 $0x0, s1;
	[sflag:s0] =	ssyncset.done @!p0 $0x0  }
0xfa: {  	[sflag:s0] =	ssyncadd.s32 @!p0 s1  }
0xfb: {  	[bflag:$0x3] =	sbarrier.arrive $0xFFFF  }
0xfc: {  	_ =	shalt  }

</sc_bundles>
